<compile_context>
chip_gen: v7x
topology: tpu7x:2x2x1
jax: 0.10.2.dev20260603
libtpu: 0.0.44.dev20260713+nightly
codegen_flags: <defaults>
</compile_context>

<pallas_src>
import functools

import jax
import jax.numpy as jnp
from jax import lax
from jax.experimental import pallas as pl
from jax.experimental.pallas import tpu as pltpu
from jax.experimental.pallas import tpu_sc as plsc

MAX_POS = 8192
HIDDEN = 2048
NC = 2
NS = 16
L = 16
NW = NC * NS
RPW = MAX_POS // NW
C = 8
NCH = RPW // C
NBUF = 4
LA = 2

_mesh = plsc.VectorSubcoreMesh(core_axis_name="c", subcore_axis_name="s")


@functools.partial(
    pl.kernel,
    out_type=jax.ShapeDtypeStruct((MAX_POS, HIDDEN), jnp.float32),
    mesh=_mesh,
    scratch_types=[
        pltpu.VMEM((L,), jnp.int32),
        pltpu.VMEM_SHARED((NS, NBUF, C, HIDDEN), jnp.float32),
        pltpu.VMEM((RPW,), jnp.int32),
        pltpu.VMEM((8, HIDDEN), jnp.float32),
        [pltpu.SemaphoreType.DMA] * NBUF,
        [pltpu.SemaphoreType.DMA] * NBUF,
    ],
)
def _pos_embed(off_hbm, table_hbm, out_hbm, off_v, sp_v, idx_v, rows_v,
               gs, ws):
    wid = lax.axis_index("s") * NC + lax.axis_index("c")
    sid = lax.axis_index("s")
    base = wid * RPW

    pltpu.sync_copy(off_hbm, off_v)
    off = off_v[...]
    off_s = off[0]

    @pl.when((off_s & 7) == 0)
    def _fast_path():
        def read(ch, j):
            src = (base + ch * C + off_s) & (MAX_POS - 1)
            src = pl.multiple_of(src, 8)
            pltpu.async_copy(table_hbm.at[pl.ds(src, C)],
                             sp_v.at[sid, j], gs[j])

        def read_wait(j):
            pltpu.make_async_copy(table_hbm.at[pl.ds(0, C)],
                                  sp_v.at[sid, j], gs[j]).wait()

        def write(ch, j):
            pltpu.async_copy(sp_v.at[sid, j],
                             out_hbm.at[pl.ds(base + ch * C, C)], ws[j])

        def write_wait(j):
            pltpu.make_async_copy(sp_v.at[sid, j], out_hbm.at[pl.ds(0, C)],
                                  ws[j]).wait()

        for ch in range(LA):
            read(ch, ch % NBUF)

        @pl.loop(0, NCH, step=NBUF)
        def _body(c):
            for j in range(NBUF):
                ch = c + j
                gch = ch + LA
                jb = (j + LA) % NBUF

                @pl.when(jnp.logical_and(ch >= NBUF - LA, gch < NCH))
                def _():
                    write_wait(jb)

                @pl.when(gch < NCH)
                def _():
                    read(gch, jb)

                read_wait(j)
                write(ch, j)

        for ch in range(NCH - NBUF, NCH):
            write_wait(ch % NBUF)

    @pl.when((off_s & 7) != 0)
    def _slow_path():
        for i in range(RPW // L):
            idx = lax.broadcasted_iota(jnp.int32, (L,), 0) + (base + i * L)
            idx_v[pl.ds(i * L, L)] = (idx + off) & (MAX_POS - 1)

        @pl.loop(0, RPW // 8)
        def _body(ch):
            pltpu.sync_copy(table_hbm.at[idx_v.at[pl.ds(ch * 8, 8)]],
                            rows_v)
            pltpu.sync_copy(rows_v, out_hbm.at[pl.ds(base + ch * 8, 8)])


def kernel(seq_len, table):
    offset = jnp.asarray(seq_len, jnp.int32) - jnp.int32(MAX_POS)
    off_vec = jnp.full((L,), offset, dtype=jnp.int32)
    out = _pos_embed(off_vec, table)
    return out[None]

# --- scband reference (transcript-rebuilt; emitter-appended) ---
"""Pipeline reference for scband-position-embedding-67688684585431 (READ-ONLY COPY).

The authoritative reference and input builder live on the scoring server;
editing this copy changes nothing except your own understanding.
"""

import jax, jax.numpy as jnp
import numpy as np
import math

MAX_POS = 8192
HIDDEN = 2048

def _sinusoidal_table(max_pos, hidden):
    position = np.arange(max_pos, dtype=np.float32)[:, None]
    div_term = np.exp(np.arange(0, hidden, 2, dtype=np.float32) * (-math.log(10000.0) / hidden))
    emb = np.zeros((max_pos, hidden), dtype=np.float32)
    emb[:, 0::2] = np.sin(position * div_term)
    emb[:, 1::2] = np.cos(position * div_term)
    return jnp.asarray(emb)

def setup_inputs() -> dict:
    table = _sinusoidal_table(MAX_POS, HIDDEN)
    return {"seq_len": 8192, "table": table}

def reference(seq_len, table):
    # position_ids = arange(seq_len)[None, :], then embedding lookup -> (1, seq_len, hidden)
    static_len = table.shape[0]
    offset = (jnp.asarray(seq_len, dtype=jnp.int32) - jnp.int32(static_len))
    position_ids = (jnp.arange(static_len, dtype=jnp.int32) + offset)[None, :]
    return jnp.take(table, position_ids, axis=0)

if __name__ == "__main__":
    import jax
    _d = setup_inputs()
    print(jax.jit(kernel)(*tuple(_d.values())))

</pallas_src>

<mosaic_0001>
#map = affine_map<(d0, d1) -> (0)>
#map1 = affine_map<(d0, d1) -> (0, 0)>
module attributes {stable_mosaic.version = 14 : i64} {
  func.func @_pos_embed(%arg0: i32, %arg1: i32, %arg2: memref<16xi32, #tpu.memory_space<hbm>>, %arg3: memref<8192x2048xf32, #tpu.memory_space<hbm>>, %arg4: memref<8192x2048xf32, #tpu.memory_space<hbm>>, %arg5: memref<16xi32, #tpu.memory_space<vmem>>, %arg6: memref<16x4x8x2048xf32, #tpu.memory_space<vmem_shared>>, %arg7: memref<256xi32, #tpu.memory_space<vmem>>, %arg8: memref<8x2048xf32, #tpu.memory_space<vmem>>, %arg9: memref<!tpu.dma_semaphore, #tpu.memory_space<semaphore_mem>>, %arg10: memref<!tpu.dma_semaphore, #tpu.memory_space<semaphore_mem>>, %arg11: memref<!tpu.dma_semaphore, #tpu.memory_space<semaphore_mem>>, %arg12: memref<!tpu.dma_semaphore, #tpu.memory_space<semaphore_mem>>, %arg13: memref<!tpu.dma_semaphore, #tpu.memory_space<semaphore_mem>>, %arg14: memref<!tpu.dma_semaphore, #tpu.memory_space<semaphore_mem>>, %arg15: memref<!tpu.dma_semaphore, #tpu.memory_space<semaphore_mem>>, %arg16: memref<!tpu.dma_semaphore, #tpu.memory_space<semaphore_mem>>) attributes {dimension_semantics = [#tpu.dimension_semantics<core_parallel>, #tpu.dimension_semantics<subcore_parallel>], iteration_bounds = array<i64: 2, 16>, scalar_prefetch = 0 : i64, scratch_operands = 12 : i64, tpu.core_type = #tpu.core_type<sc_vector_subcore>, window_params = [{transform_indices = #map}, {transform_indices = #map1}, {transform_indices = #map1}]} {
    %mul3A = arith.constant 2 : i32
    %mul3A_0 = arith.muli %arg1, %mul3A : i32
    %add3A = arith.addi %mul3A_0, %arg0 : i32
    %mul3A_1 = arith.constant 256 : i32
    %mul3A_2 = arith.muli %add3A, %mul3A_1 : i32
    "tpu.region"() ({
      %run_scoped3A = tpu.sem_alloc : memref<!tpu.dma_semaphore, #tpu.memory_space<semaphore_mem>>
      tpu.enqueue_dma source(%arg2 : memref<16xi32, #tpu.memory_space<hbm>>) target(%arg5 : memref<16xi32, #tpu.memory_space<vmem>>) target_semaphore(%run_scoped3A : memref<!tpu.dma_semaphore, #tpu.memory_space<semaphore_mem>>)
      tpu.wait_dma2 semaphore(%run_scoped3A : memref<!tpu.dma_semaphore, #tpu.memory_space<semaphore_mem>>) src(%arg2 : memref<16xi32, #tpu.memory_space<hbm>>) dst(%arg5 : memref<16xi32, #tpu.memory_space<vmem>>)
      tpu.yield
    }) : () -> ()
    %get3A = arith.constant 0 : index
    %get3A_3 = tpu.vector_load %arg5[%get3A] {strides = array<i32>} : memref<16xi32, #tpu.memory_space<vmem>>, vector<16xi32>,
    %get3A_4 = vector.shape_cast %get3A_3 : vector<16xi32> to vector<16xi32>
    %slice3A = vector.extract_strided_slice %get3A_4 {offsets = [0], sizes = [1], strides = [1]} : vector<16xi32> to vector<1xi32>
    %squeeze3A = vector.extract %slice3A[0] : i32 from vector<1xi32>
    %and3A = arith.constant 7 : i32
    %and3A_5 = arith.andi %squeeze3A, %and3A : i32
    %eq3A = arith.constant 0 : i32
    %eq3A_6 = arith.cmpi eq, %and3A_5, %eq3A : i32
    %convert_element_type3A = arith.extui %eq3A_6 : i1 to i32
    %cond3A = arith.constant 0 : i32
    %cond3A_7 = arith.cmpi ne, %convert_element_type3A, %cond3A : i32
    scf.if %cond3A_7 {
      %add3A_14 = arith.constant 0 : i32
      %add3A_15 = arith.addi %mul3A_2, %add3A_14 : i32
      %add3A_16 = arith.addi %add3A_15, %squeeze3A : i32
      %and3A_17 = arith.constant 8191 : i32
      %and3A_18 = arith.andi %add3A_16, %and3A_17 : i32
      %multiple_of3A = tpu.assume_multiple %and3A_18, 8 : i32
      %dma_start3A = arith.constant 0 : i32
      %dma_start3A_19 = arith.constant 0 : i32
      %dma_start3A_20 = arith.constant 0 : i32
      %dma_start3A_21 = tpu.memref_slice %arg6[%arg1, %dma_start3A, %dma_start3A_19, %dma_start3A_20] : memref<16x4x8x2048xf32, #tpu.memory_space<vmem_shared>> -> memref<1x1x8x2048xf32, #tpu.memory_space<vmem_shared>>
      %dma_start3A_22 = tpu.memref_squeeze %dma_start3A_21 : memref<1x1x8x2048xf32, #tpu.memory_space<vmem_shared>> -> memref<8x2048xf32, #tpu.memory_space<vmem_shared>>
      %dma_start3A_23 = arith.constant 0 : i32
      %dma_start3A_24 = tpu.memref_slice %arg3[%multiple_of3A, %dma_start3A_23] : memref<8192x2048xf32, #tpu.memory_space<hbm>> -> memref<8x2048xf32, #tpu.memory_space<hbm>>
      tpu.enqueue_dma source(%dma_start3A_24 : memref<8x2048xf32, #tpu.memory_space<hbm>>) target(%dma_start3A_22 : memref<8x2048xf32, #tpu.memory_space<vmem_shared>>) target_semaphore(%arg9 : memref<!tpu.dma_semaphore, #tpu.memory_space<semaphore_mem>>)
      %add3A_25 = arith.constant 8 : i32
      %add3A_26 = arith.addi %mul3A_2, %add3A_25 : i32
      %add3A_27 = arith.addi %add3A_26, %squeeze3A : i32
      %and3A_28 = arith.constant 8191 : i32
      %and3A_29 = arith.andi %add3A_27, %and3A_28 : i32
      %multiple_of3A_30 = tpu.assume_multiple %and3A_29, 8 : i32
      %dma_start3A_31 = arith.constant 1 : i32
      %dma_start3A_32 = arith.constant 0 : i32
      %dma_start3A_33 = arith.constant 0 : i32
      %dma_start3A_34 = tpu.memref_slice %arg6[%arg1, %dma_start3A_31, %dma_start3A_32, %dma_start3A_33] : memref<16x4x8x2048xf32, #tpu.memory_space<vmem_shared>> -> memref<1x1x8x2048xf32, #tpu.memory_space<vmem_shared>>
      %dma_start3A_35 = tpu.memref_squeeze %dma_start3A_34 : memref<1x1x8x2048xf32, #tpu.memory_space<vmem_shared>> -> memref<8x2048xf32, #tpu.memory_space<vmem_shared>>
      %dma_start3A_36 = arith.constant 0 : i32
      %dma_start3A_37 = tpu.memref_slice %arg3[%multiple_of3A_30, %dma_start3A_36] : memref<8192x2048xf32, #tpu.memory_space<hbm>> -> memref<8x2048xf32, #tpu.memory_space<hbm>>
      tpu.enqueue_dma source(%dma_start3A_37 : memref<8x2048xf32, #tpu.memory_space<hbm>>) target(%dma_start3A_35 : memref<8x2048xf32, #tpu.memory_space<vmem_shared>>) target_semaphore(%arg10 : memref<!tpu.dma_semaphore, #tpu.memory_space<semaphore_mem>>)
      %scan3A = arith.constant 0 : i32
      %scan3A_38 = arith.constant 8 : i32
      %scan3A_39 = arith.addi %scan3A, %scan3A_38 : i32
      %scan3A_40 = arith.constant 1 : i32
      scf.for %scan3A_73 = %scan3A to %scan3A_39 step %scan3A_40  : i32 {
        %mul3A_74 = arith.constant 4 : i32
        %mul3A_75 = arith.muli %scan3A_73, %mul3A_74 : i32
        %add3A_76 = arith.constant 0 : i32
        %add3A_77 = arith.addi %add3A_76, %mul3A_75 : i32
        %add3A_78 = arith.constant 0 : i32
        %add3A_79 = arith.addi %add3A_77, %add3A_78 : i32
        %add3A_80 = arith.constant 2 : i32
        %add3A_81 = arith.addi %add3A_79, %add3A_80 : i32
        %ge3A = arith.constant 2 : i32
        %ge3A_82 = arith.cmpi sge, %add3A_79, %ge3A : i32
        %lt3A = arith.constant 32 : i32
        %lt3A_83 = arith.cmpi slt, %add3A_81, %lt3A : i32
        %and3A_84 = arith.andi %ge3A_82, %lt3A_83 : i1
        %convert_element_type3A_85 = arith.extui %and3A_84 : i1 to i32
        %cond3A_86 = arith.constant 0 : i32
        %cond3A_87 = arith.cmpi ne, %convert_element_type3A_85, %cond3A_86 : i32
        scf.if %cond3A_87 {
          %dma_wait3A_216 = arith.constant 2 : i32
          %dma_wait3A_217 = arith.constant 0 : i32
          %dma_wait3A_218 = arith.constant 0 : i32
          %dma_wait3A_219 = tpu.memref_slice %arg4[%dma_wait3A_217, %dma_wait3A_218] : memref<8192x2048xf32, #tpu.memory_space<hbm>> -> memref<8x2048xf32, #tpu.memory_space<hbm>>
          %dma_wait3A_220 = arith.constant 0 : i32
          %dma_wait3A_221 = arith.constant 0 : i32
          %dma_wait3A_222 = tpu.memref_slice %arg6[%arg1, %dma_wait3A_216, %dma_wait3A_220, %dma_wait3A_221] : memref<16x4x8x2048xf32, #tpu.memory_space<vmem_shared>> -> memref<1x1x8x2048xf32, #tpu.memory_space<vmem_shared>>
          %dma_wait3A_223 = tpu.memref_squeeze %dma_wait3A_222 : memref<1x1x8x2048xf32, #tpu.memory_space<vmem_shared>> -> memref<8x2048xf32, #tpu.memory_space<vmem_shared>>
          tpu.wait_dma2 semaphore(%arg15 : memref<!tpu.dma_semaphore, #tpu.memory_space<semaphore_mem>>) src(%dma_wait3A_223 : memref<8x2048xf32, #tpu.memory_space<vmem_shared>>) dst(%dma_wait3A_219 : memref<8x2048xf32, #tpu.memory_space<hbm>>)
        } else {
        }
        %lt3A_88 = arith.constant 32 : i32
        %lt3A_89 = arith.cmpi slt, %add3A_81, %lt3A_88 : i32
        %convert_element_type3A_90 = arith.extui %lt3A_89 : i1 to i32
        %cond3A_91 = arith.constant 0 : i32
        %cond3A_92 = arith.cmpi ne, %convert_element_type3A_90, %cond3A_91 : i32
        scf.if %cond3A_92 {
          %mul3A_216 = arith.constant 8 : i32
          %mul3A_217 = arith.muli %add3A_81, %mul3A_216 : i32
          %add3A_218 = arith.addi %mul3A_2, %mul3A_217 : i32
          %add3A_219 = arith.addi %add3A_218, %squeeze3A : i32
          %and3A_220 = arith.constant 8191 : i32
          %and3A_221 = arith.andi %add3A_219, %and3A_220 : i32
          %multiple_of3A_222 = tpu.assume_multiple %and3A_221, 8 : i32
          %dma_start3A_223 = arith.constant 2 : i32
          %dma_start3A_224 = arith.constant 0 : i32
          %dma_start3A_225 = arith.constant 0 : i32
          %dma_start3A_226 = tpu.memref_slice %arg6[%arg1, %dma_start3A_223, %dma_start3A_224, %dma_start3A_225] : memref<16x4x8x2048xf32, #tpu.memory_space<vmem_shared>> -> memref<1x1x8x2048xf32, #tpu.memory_space<vmem_shared>>
          %dma_start3A_227 = tpu.memref_squeeze %dma_start3A_226 : memref<1x1x8x2048xf32, #tpu.memory_space<vmem_shared>> -> memref<8x2048xf32, #tpu.memory_space<vmem_shared>>
          %dma_start3A_228 = arith.constant 0 : i32
          %dma_start3A_229 = tpu.memref_slice %arg3[%multiple_of3A_222, %dma_start3A_228] : memref<8192x2048xf32, #tpu.memory_space<hbm>> -> memref<8x2048xf32, #tpu.memory_space<hbm>>
          tpu.enqueue_dma source(%dma_start3A_229 : memref<8x2048xf32, #tpu.memory_space<hbm>>) target(%dma_start3A_227 : memref<8x2048xf32, #tpu.memory_space<vmem_shared>>) target_semaphore(%arg11 : memref<!tpu.dma_semaphore, #tpu.memory_space<semaphore_mem>>)
        } else {
        }
        %dma_wait3A_93 = arith.constant 0 : i32
        %dma_wait3A_94 = arith.constant 0 : i32
        %dma_wait3A_95 = arith.constant 0 : i32
        %dma_wait3A_96 = tpu.memref_slice %arg6[%arg1, %dma_wait3A_93, %dma_wait3A_94, %dma_wait3A_95] : memref<16x4x8x2048xf32, #tpu.memory_space<vmem_shared>> -> memref<1x1x8x2048xf32, #tpu.memory_space<vmem_shared>>
        %dma_wait3A_97 = tpu.memref_squeeze %dma_wait3A_96 : memref<1x1x8x2048xf32, #tpu.memory_space<vmem_shared>> -> memref<8x2048xf32, #tpu.memory_space<vmem_shared>>
        %dma_wait3A_98 = arith.constant 0 : i32
        %dma_wait3A_99 = arith.constant 0 : i32
        %dma_wait3A_100 = tpu.memref_slice %arg3[%dma_wait3A_98, %dma_wait3A_99] : memref<8192x2048xf32, #tpu.memory_space<hbm>> -> memref<8x2048xf32, #tpu.memory_space<hbm>>
        tpu.wait_dma2 semaphore(%arg9 : memref<!tpu.dma_semaphore, #tpu.memory_space<semaphore_mem>>) src(%dma_wait3A_100 : memref<8x2048xf32, #tpu.memory_space<hbm>>) dst(%dma_wait3A_97 : memref<8x2048xf32, #tpu.memory_space<vmem_shared>>)
        %mul3A_101 = arith.constant 8 : i32
        %mul3A_102 = arith.muli %add3A_79, %mul3A_101 : i32
        %add3A_103 = arith.addi %mul3A_2, %mul3A_102 : i32
        %dma_start3A_104 = arith.constant 0 : i32
        %dma_start3A_105 = arith.constant 0 : i32
        %dma_start3A_106 = tpu.memref_slice %arg4[%add3A_103, %dma_start3A_105] : memref<8192x2048xf32, #tpu.memory_space<hbm>> -> memref<8x2048xf32, #tpu.memory_space<hbm>>
        %dma_start3A_107 = arith.constant 0 : i32
        %dma_start3A_108 = arith.constant 0 : i32
        %dma_start3A_109 = tpu.memref_slice %arg6[%arg1, %dma_start3A_104, %dma_start3A_107, %dma_start3A_108] : memref<16x4x8x2048xf32, #tpu.memory_space<vmem_shared>> -> memref<1x1x8x2048xf32, #tpu.memory_space<vmem_shared>>
        %dma_start3A_110 = tpu.memref_squeeze %dma_start3A_109 : memref<1x1x8x2048xf32, #tpu.memory_space<vmem_shared>> -> memref<8x2048xf32, #tpu.memory_space<vmem_shared>>
        tpu.enqueue_dma source(%dma_start3A_110 : memref<8x2048xf32, #tpu.memory_space<vmem_shared>>) target(%dma_start3A_106 : memref<8x2048xf32, #tpu.memory_space<hbm>>) target_semaphore(%arg13 : memref<!tpu.dma_semaphore, #tpu.memory_space<semaphore_mem>>)
        %add3A_111 = arith.constant 1 : i32
        %add3A_112 = arith.addi %add3A_77, %add3A_111 : i32
        %add3A_113 = arith.constant 2 : i32
        %add3A_114 = arith.addi %add3A_112, %add3A_113 : i32
        %ge3A_115 = arith.constant 2 : i32
        %ge3A_116 = arith.cmpi sge, %add3A_112, %ge3A_115 : i32
        %lt3A_117 = arith.constant 32 : i32
        %lt3A_118 = arith.cmpi slt, %add3A_114, %lt3A_117 : i32
        %and3A_119 = arith.andi %ge3A_116, %lt3A_118 : i1
        %convert_element_type3A_120 = arith.extui %and3A_119 : i1 to i32
        %cond3A_121 = arith.constant 0 : i32
        %cond3A_122 = arith.cmpi ne, %convert_element_type3A_120, %cond3A_121 : i32
        scf.if %cond3A_122 {
          %dma_wait3A_216 = arith.constant 3 : i32
          %dma_wait3A_217 = arith.constant 0 : i32
          %dma_wait3A_218 = arith.constant 0 : i32
          %dma_wait3A_219 = tpu.memref_slice %arg4[%dma_wait3A_217, %dma_wait3A_218] : memref<8192x2048xf32, #tpu.memory_space<hbm>> -> memref<8x2048xf32, #tpu.memory_space<hbm>>
          %dma_wait3A_220 = arith.constant 0 : i32
          %dma_wait3A_221 = arith.constant 0 : i32
          %dma_wait3A_222 = tpu.memref_slice %arg6[%arg1, %dma_wait3A_216, %dma_wait3A_220, %dma_wait3A_221] : memref<16x4x8x2048xf32, #tpu.memory_space<vmem_shared>> -> memref<1x1x8x2048xf32, #tpu.memory_space<vmem_shared>>
          %dma_wait3A_223 = tpu.memref_squeeze %dma_wait3A_222 : memref<1x1x8x2048xf32, #tpu.memory_space<vmem_shared>> -> memref<8x2048xf32, #tpu.memory_space<vmem_shared>>
          tpu.wait_dma2 semaphore(%arg16 : memref<!tpu.dma_semaphore, #tpu.memory_space<semaphore_mem>>) src(%dma_wait3A_223 : memref<8x2048xf32, #tpu.memory_space<vmem_shared>>) dst(%dma_wait3A_219 : memref<8x2048xf32, #tpu.memory_space<hbm>>)
        } else {
        }
        %lt3A_123 = arith.constant 32 : i32
        %lt3A_124 = arith.cmpi slt, %add3A_114, %lt3A_123 : i32
        %convert_element_type3A_125 = arith.extui %lt3A_124 : i1 to i32
        %cond3A_126 = arith.constant 0 : i32
        %cond3A_127 = arith.cmpi ne, %convert_element_type3A_125, %cond3A_126 : i32
        scf.if %cond3A_127 {
          %mul3A_216 = arith.constant 8 : i32
          %mul3A_217 = arith.muli %add3A_114, %mul3A_216 : i32
          %add3A_218 = arith.addi %mul3A_2, %mul3A_217 : i32
          %add3A_219 = arith.addi %add3A_218, %squeeze3A : i32
          %and3A_220 = arith.constant 8191 : i32
          %and3A_221 = arith.andi %add3A_219, %and3A_220 : i32
          %multiple_of3A_222 = tpu.assume_multiple %and3A_221, 8 : i32
          %dma_start3A_223 = arith.constant 3 : i32
          %dma_start3A_224 = arith.constant 0 : i32
          %dma_start3A_225 = arith.constant 0 : i32
          %dma_start3A_226 = tpu.memref_slice %arg6[%arg1, %dma_start3A_223, %dma_start3A_224, %dma_start3A_225] : memref<16x4x8x2048xf32, #tpu.memory_space<vmem_shared>> -> memref<1x1x8x2048xf32, #tpu.memory_space<vmem_shared>>
          %dma_start3A_227 = tpu.memref_squeeze %dma_start3A_226 : memref<1x1x8x2048xf32, #tpu.memory_space<vmem_shared>> -> memref<8x2048xf32, #tpu.memory_space<vmem_shared>>
          %dma_start3A_228 = arith.constant 0 : i32
          %dma_start3A_229 = tpu.memref_slice %arg3[%multiple_of3A_222, %dma_start3A_228] : memref<8192x2048xf32, #tpu.memory_space<hbm>> -> memref<8x2048xf32, #tpu.memory_space<hbm>>
          tpu.enqueue_dma source(%dma_start3A_229 : memref<8x2048xf32, #tpu.memory_space<hbm>>) target(%dma_start3A_227 : memref<8x2048xf32, #tpu.memory_space<vmem_shared>>) target_semaphore(%arg12 : memref<!tpu.dma_semaphore, #tpu.memory_space<semaphore_mem>>)
        } else {
        }
        %dma_wait3A_128 = arith.constant 1 : i32
        %dma_wait3A_129 = arith.constant 0 : i32
        %dma_wait3A_130 = arith.constant 0 : i32
        %dma_wait3A_131 = tpu.memref_slice %arg6[%arg1, %dma_wait3A_128, %dma_wait3A_129, %dma_wait3A_130] : memref<16x4x8x2048xf32, #tpu.memory_space<vmem_shared>> -> memref<1x1x8x2048xf32, #tpu.memory_space<vmem_shared>>
        %dma_wait3A_132 = tpu.memref_squeeze %dma_wait3A_131 : memref<1x1x8x2048xf32, #tpu.memory_space<vmem_shared>> -> memref<8x2048xf32, #tpu.memory_space<vmem_shared>>
        %dma_wait3A_133 = arith.constant 0 : i32
        %dma_wait3A_134 = arith.constant 0 : i32
        %dma_wait3A_135 = tpu.memref_slice %arg3[%dma_wait3A_133, %dma_wait3A_134] : memref<8192x2048xf32, #tpu.memory_space<hbm>> -> memref<8x2048xf32, #tpu.memory_space<hbm>>
        tpu.wait_dma2 semaphore(%arg10 : memref<!tpu.dma_semaphore, #tpu.memory_space<semaphore_mem>>) src(%dma_wait3A_135 : memref<8x2048xf32, #tpu.memory_space<hbm>>) dst(%dma_wait3A_132 : memref<8x2048xf32, #tpu.memory_space<vmem_shared>>)
        %mul3A_136 = arith.constant 8 : i32
        %mul3A_137 = arith.muli %add3A_112, %mul3A_136 : i32
        %add3A_138 = arith.addi %mul3A_2, %mul3A_137 : i32
        %dma_start3A_139 = arith.constant 1 : i32
        %dma_start3A_140 = arith.constant 0 : i32
        %dma_start3A_141 = tpu.memref_slice %arg4[%add3A_138, %dma_start3A_140] : memref<8192x2048xf32, #tpu.memory_space<hbm>> -> memref<8x2048xf32, #tpu.memory_space<hbm>>
        %dma_start3A_142 = arith.constant 0 : i32
        %dma_start3A_143 = arith.constant 0 : i32
        %dma_start3A_144 = tpu.memref_slice %arg6[%arg1, %dma_start3A_139, %dma_start3A_142, %dma_start3A_143] : memref<16x4x8x2048xf32, #tpu.memory_space<vmem_shared>> -> memref<1x1x8x2048xf32, #tpu.memory_space<vmem_shared>>
        %dma_start3A_145 = tpu.memref_squeeze %dma_start3A_144 : memref<1x1x8x2048xf32, #tpu.memory_space<vmem_shared>> -> memref<8x2048xf32, #tpu.memory_space<vmem_shared>>
        tpu.enqueue_dma source(%dma_start3A_145 : memref<8x2048xf32, #tpu.memory_space<vmem_shared>>) target(%dma_start3A_141 : memref<8x2048xf32, #tpu.memory_space<hbm>>) target_semaphore(%arg14 : memref<!tpu.dma_semaphore, #tpu.memory_space<semaphore_mem>>)
        %add3A_146 = arith.constant 2 : i32
        %add3A_147 = arith.addi %add3A_77, %add3A_146 : i32
        %add3A_148 = arith.constant 2 : i32
        %add3A_149 = arith.addi %add3A_147, %add3A_148 : i32
        %ge3A_150 = arith.constant 2 : i32
        %ge3A_151 = arith.cmpi sge, %add3A_147, %ge3A_150 : i32
        %lt3A_152 = arith.constant 32 : i32
        %lt3A_153 = arith.cmpi slt, %add3A_149, %lt3A_152 : i32
        %and3A_154 = arith.andi %ge3A_151, %lt3A_153 : i1
        %convert_element_type3A_155 = arith.extui %and3A_154 : i1 to i32
        %cond3A_156 = arith.constant 0 : i32
        %cond3A_157 = arith.cmpi ne, %convert_element_type3A_155, %cond3A_156 : i32
        scf.if %cond3A_157 {
          %dma_wait3A_216 = arith.constant 0 : i32
          %dma_wait3A_217 = arith.constant 0 : i32
          %dma_wait3A_218 = arith.constant 0 : i32
          %dma_wait3A_219 = tpu.memref_slice %arg4[%dma_wait3A_217, %dma_wait3A_218] : memref<8192x2048xf32, #tpu.memory_space<hbm>> -> memref<8x2048xf32, #tpu.memory_space<hbm>>
          %dma_wait3A_220 = arith.constant 0 : i32
          %dma_wait3A_221 = arith.constant 0 : i32
          %dma_wait3A_222 = tpu.memref_slice %arg6[%arg1, %dma_wait3A_216, %dma_wait3A_220, %dma_wait3A_221] : memref<16x4x8x2048xf32, #tpu.memory_space<vmem_shared>> -> memref<1x1x8x2048xf32, #tpu.memory_space<vmem_shared>>
          %dma_wait3A_223 = tpu.memref_squeeze %dma_wait3A_222 : memref<1x1x8x2048xf32, #tpu.memory_space<vmem_shared>> -> memref<8x2048xf32, #tpu.memory_space<vmem_shared>>
          tpu.wait_dma2 semaphore(%arg13 : memref<!tpu.dma_semaphore, #tpu.memory_space<semaphore_mem>>) src(%dma_wait3A_223 : memref<8x2048xf32, #tpu.memory_space<vmem_shared>>) dst(%dma_wait3A_219 : memref<8x2048xf32, #tpu.memory_space<hbm>>)
        } else {
        }
        %lt3A_158 = arith.constant 32 : i32
        %lt3A_159 = arith.cmpi slt, %add3A_149, %lt3A_158 : i32
        %convert_element_type3A_160 = arith.extui %lt3A_159 : i1 to i32
        %cond3A_161 = arith.constant 0 : i32
        %cond3A_162 = arith.cmpi ne, %convert_element_type3A_160, %cond3A_161 : i32
        scf.if %cond3A_162 {
          %mul3A_216 = arith.constant 8 : i32
          %mul3A_217 = arith.muli %add3A_149, %mul3A_216 : i32
          %add3A_218 = arith.addi %mul3A_2, %mul3A_217 : i32
          %add3A_219 = arith.addi %add3A_218, %squeeze3A : i32
          %and3A_220 = arith.constant 8191 : i32
          %and3A_221 = arith.andi %add3A_219, %and3A_220 : i32
          %multiple_of3A_222 = tpu.assume_multiple %and3A_221, 8 : i32
          %dma_start3A_223 = arith.constant 0 : i32
          %dma_start3A_224 = arith.constant 0 : i32
          %dma_start3A_225 = arith.constant 0 : i32
          %dma_start3A_226 = tpu.memref_slice %arg6[%arg1, %dma_start3A_223, %dma_start3A_224, %dma_start3A_225] : memref<16x4x8x2048xf32, #tpu.memory_space<vmem_shared>> -> memref<1x1x8x2048xf32, #tpu.memory_space<vmem_shared>>
          %dma_start3A_227 = tpu.memref_squeeze %dma_start3A_226 : memref<1x1x8x2048xf32, #tpu.memory_space<vmem_shared>> -> memref<8x2048xf32, #tpu.memory_space<vmem_shared>>
          %dma_start3A_228 = arith.constant 0 : i32
          %dma_start3A_229 = tpu.memref_slice %arg3[%multiple_of3A_222, %dma_start3A_228] : memref<8192x2048xf32, #tpu.memory_space<hbm>> -> memref<8x2048xf32, #tpu.memory_space<hbm>>
          tpu.enqueue_dma source(%dma_start3A_229 : memref<8x2048xf32, #tpu.memory_space<hbm>>) target(%dma_start3A_227 : memref<8x2048xf32, #tpu.memory_space<vmem_shared>>) target_semaphore(%arg9 : memref<!tpu.dma_semaphore, #tpu.memory_space<semaphore_mem>>)
        } else {
        }
        %dma_wait3A_163 = arith.constant 2 : i32
        %dma_wait3A_164 = arith.constant 0 : i32
        %dma_wait3A_165 = arith.constant 0 : i32
        %dma_wait3A_166 = tpu.memref_slice %arg6[%arg1, %dma_wait3A_163, %dma_wait3A_164, %dma_wait3A_165] : memref<16x4x8x2048xf32, #tpu.memory_space<vmem_shared>> -> memref<1x1x8x2048xf32, #tpu.memory_space<vmem_shared>>
        %dma_wait3A_167 = tpu.memref_squeeze %dma_wait3A_166 : memref<1x1x8x2048xf32, #tpu.memory_space<vmem_shared>> -> memref<8x2048xf32, #tpu.memory_space<vmem_shared>>
        %dma_wait3A_168 = arith.constant 0 : i32
        %dma_wait3A_169 = arith.constant 0 : i32
        %dma_wait3A_170 = tpu.memref_slice %arg3[%dma_wait3A_168, %dma_wait3A_169] : memref<8192x2048xf32, #tpu.memory_space<hbm>> -> memref<8x2048xf32, #tpu.memory_space<hbm>>
        tpu.wait_dma2 semaphore(%arg11 : memref<!tpu.dma_semaphore, #tpu.memory_space<semaphore_mem>>) src(%dma_wait3A_170 : memref<8x2048xf32, #tpu.memory_space<hbm>>) dst(%dma_wait3A_167 : memref<8x2048xf32, #tpu.memory_space<vmem_shared>>)
        %mul3A_171 = arith.constant 8 : i32
        %mul3A_172 = arith.muli %add3A_147, %mul3A_171 : i32
        %add3A_173 = arith.addi %mul3A_2, %mul3A_172 : i32
        %dma_start3A_174 = arith.constant 2 : i32
        %dma_start3A_175 = arith.constant 0 : i32
        %dma_start3A_176 = tpu.memref_slice %arg4[%add3A_173, %dma_start3A_175] : memref<8192x2048xf32, #tpu.memory_space<hbm>> -> memref<8x2048xf32, #tpu.memory_space<hbm>>
        %dma_start3A_177 = arith.constant 0 : i32
        %dma_start3A_178 = arith.constant 0 : i32
        %dma_start3A_179 = tpu.memref_slice %arg6[%arg1, %dma_start3A_174, %dma_start3A_177, %dma_start3A_178] : memref<16x4x8x2048xf32, #tpu.memory_space<vmem_shared>> -> memref<1x1x8x2048xf32, #tpu.memory_space<vmem_shared>>
        %dma_start3A_180 = tpu.memref_squeeze %dma_start3A_179 : memref<1x1x8x2048xf32, #tpu.memory_space<vmem_shared>> -> memref<8x2048xf32, #tpu.memory_space<vmem_shared>>
        tpu.enqueue_dma source(%dma_start3A_180 : memref<8x2048xf32, #tpu.memory_space<vmem_shared>>) target(%dma_start3A_176 : memref<8x2048xf32, #tpu.memory_space<hbm>>) target_semaphore(%arg15 : memref<!tpu.dma_semaphore, #tpu.memory_space<semaphore_mem>>)
        %add3A_181 = arith.constant 3 : i32
        %add3A_182 = arith.addi %add3A_77, %add3A_181 : i32
        %add3A_183 = arith.constant 2 : i32
        %add3A_184 = arith.addi %add3A_182, %add3A_183 : i32
        %ge3A_185 = arith.constant 2 : i32
        %ge3A_186 = arith.cmpi sge, %add3A_182, %ge3A_185 : i32
        %lt3A_187 = arith.constant 32 : i32
        %lt3A_188 = arith.cmpi slt, %add3A_184, %lt3A_187 : i32
        %and3A_189 = arith.andi %ge3A_186, %lt3A_188 : i1
        %convert_element_type3A_190 = arith.extui %and3A_189 : i1 to i32
        %cond3A_191 = arith.constant 0 : i32
        %cond3A_192 = arith.cmpi ne, %convert_element_type3A_190, %cond3A_191 : i32
        scf.if %cond3A_192 {
          %dma_wait3A_216 = arith.constant 1 : i32
          %dma_wait3A_217 = arith.constant 0 : i32
          %dma_wait3A_218 = arith.constant 0 : i32
          %dma_wait3A_219 = tpu.memref_slice %arg4[%dma_wait3A_217, %dma_wait3A_218] : memref<8192x2048xf32, #tpu.memory_space<hbm>> -> memref<8x2048xf32, #tpu.memory_space<hbm>>
          %dma_wait3A_220 = arith.constant 0 : i32
          %dma_wait3A_221 = arith.constant 0 : i32
          %dma_wait3A_222 = tpu.memref_slice %arg6[%arg1, %dma_wait3A_216, %dma_wait3A_220, %dma_wait3A_221] : memref<16x4x8x2048xf32, #tpu.memory_space<vmem_shared>> -> memref<1x1x8x2048xf32, #tpu.memory_space<vmem_shared>>
          %dma_wait3A_223 = tpu.memref_squeeze %dma_wait3A_222 : memref<1x1x8x2048xf32, #tpu.memory_space<vmem_shared>> -> memref<8x2048xf32, #tpu.memory_space<vmem_shared>>
          tpu.wait_dma2 semaphore(%arg14 : memref<!tpu.dma_semaphore, #tpu.memory_space<semaphore_mem>>) src(%dma_wait3A_223 : memref<8x2048xf32, #tpu.memory_space<vmem_shared>>) dst(%dma_wait3A_219 : memref<8x2048xf32, #tpu.memory_space<hbm>>)
        } else {
        }
        %lt3A_193 = arith.constant 32 : i32
        %lt3A_194 = arith.cmpi slt, %add3A_184, %lt3A_193 : i32
        %convert_element_type3A_195 = arith.extui %lt3A_194 : i1 to i32
        %cond3A_196 = arith.constant 0 : i32
        %cond3A_197 = arith.cmpi ne, %convert_element_type3A_195, %cond3A_196 : i32
        scf.if %cond3A_197 {
          %mul3A_216 = arith.constant 8 : i32
          %mul3A_217 = arith.muli %add3A_184, %mul3A_216 : i32
          %add3A_218 = arith.addi %mul3A_2, %mul3A_217 : i32
          %add3A_219 = arith.addi %add3A_218, %squeeze3A : i32
          %and3A_220 = arith.constant 8191 : i32
          %and3A_221 = arith.andi %add3A_219, %and3A_220 : i32
          %multiple_of3A_222 = tpu.assume_multiple %and3A_221, 8 : i32
          %dma_start3A_223 = arith.constant 1 : i32
          %dma_start3A_224 = arith.constant 0 : i32
          %dma_start3A_225 = arith.constant 0 : i32
          %dma_start3A_226 = tpu.memref_slice %arg6[%arg1, %dma_start3A_223, %dma_start3A_224, %dma_start3A_225] : memref<16x4x8x2048xf32, #tpu.memory_space<vmem_shared>> -> memref<1x1x8x2048xf32, #tpu.memory_space<vmem_shared>>
          %dma_start3A_227 = tpu.memref_squeeze %dma_start3A_226 : memref<1x1x8x2048xf32, #tpu.memory_space<vmem_shared>> -> memref<8x2048xf32, #tpu.memory_space<vmem_shared>>
          %dma_start3A_228 = arith.constant 0 : i32
          %dma_start3A_229 = tpu.memref_slice %arg3[%multiple_of3A_222, %dma_start3A_228] : memref<8192x2048xf32, #tpu.memory_space<hbm>> -> memref<8x2048xf32, #tpu.memory_space<hbm>>
          tpu.enqueue_dma source(%dma_start3A_229 : memref<8x2048xf32, #tpu.memory_space<hbm>>) target(%dma_start3A_227 : memref<8x2048xf32, #tpu.memory_space<vmem_shared>>) target_semaphore(%arg10 : memref<!tpu.dma_semaphore, #tpu.memory_space<semaphore_mem>>)
        } else {
        }
        %dma_wait3A_198 = arith.constant 3 : i32
        %dma_wait3A_199 = arith.constant 0 : i32
        %dma_wait3A_200 = arith.constant 0 : i32
        %dma_wait3A_201 = tpu.memref_slice %arg6[%arg1, %dma_wait3A_198, %dma_wait3A_199, %dma_wait3A_200] : memref<16x4x8x2048xf32, #tpu.memory_space<vmem_shared>> -> memref<1x1x8x2048xf32, #tpu.memory_space<vmem_shared>>
        %dma_wait3A_202 = tpu.memref_squeeze %dma_wait3A_201 : memref<1x1x8x2048xf32, #tpu.memory_space<vmem_shared>> -> memref<8x2048xf32, #tpu.memory_space<vmem_shared>>
        %dma_wait3A_203 = arith.constant 0 : i32
        %dma_wait3A_204 = arith.constant 0 : i32
        %dma_wait3A_205 = tpu.memref_slice %arg3[%dma_wait3A_203, %dma_wait3A_204] : memref<8192x2048xf32, #tpu.memory_space<hbm>> -> memref<8x2048xf32, #tpu.memory_space<hbm>>
        tpu.wait_dma2 semaphore(%arg12 : memref<!tpu.dma_semaphore, #tpu.memory_space<semaphore_mem>>) src(%dma_wait3A_205 : memref<8x2048xf32, #tpu.memory_space<hbm>>) dst(%dma_wait3A_202 : memref<8x2048xf32, #tpu.memory_space<vmem_shared>>)
        %mul3A_206 = arith.constant 8 : i32
        %mul3A_207 = arith.muli %add3A_182, %mul3A_206 : i32
        %add3A_208 = arith.addi %mul3A_2, %mul3A_207 : i32
        %dma_start3A_209 = arith.constant 3 : i32
        %dma_start3A_210 = arith.constant 0 : i32
        %dma_start3A_211 = tpu.memref_slice %arg4[%add3A_208, %dma_start3A_210] : memref<8192x2048xf32, #tpu.memory_space<hbm>> -> memref<8x2048xf32, #tpu.memory_space<hbm>>
        %dma_start3A_212 = arith.constant 0 : i32
        %dma_start3A_213 = arith.constant 0 : i32
        %dma_start3A_214 = tpu.memref_slice %arg6[%arg1, %dma_start3A_209, %dma_start3A_212, %dma_start3A_213] : memref<16x4x8x2048xf32, #tpu.memory_space<vmem_shared>> -> memref<1x1x8x2048xf32, #tpu.memory_space<vmem_shared>>
        %dma_start3A_215 = tpu.memref_squeeze %dma_start3A_214 : memref<1x1x8x2048xf32, #tpu.memory_space<vmem_shared>> -> memref<8x2048xf32, #tpu.memory_space<vmem_shared>>
        tpu.enqueue_dma source(%dma_start3A_215 : memref<8x2048xf32, #tpu.memory_space<vmem_shared>>) target(%dma_start3A_211 : memref<8x2048xf32, #tpu.memory_space<hbm>>) target_semaphore(%arg16 : memref<!tpu.dma_semaphore, #tpu.memory_space<semaphore_mem>>)
      }
      %scan3A_41 = arith.constant 8 : i32
      %dma_wait3A = arith.constant 0 : i32
      %dma_wait3A_42 = arith.constant 0 : i32
      %dma_wait3A_43 = arith.constant 0 : i32
      %dma_wait3A_44 = tpu.memref_slice %arg4[%dma_wait3A_42, %dma_wait3A_43] : memref<8192x2048xf32, #tpu.memory_space<hbm>> -> memref<8x2048xf32, #tpu.memory_space<hbm>>
      %dma_wait3A_45 = arith.constant 0 : i32
      %dma_wait3A_46 = arith.constant 0 : i32
      %dma_wait3A_47 = tpu.memref_slice %arg6[%arg1, %dma_wait3A, %dma_wait3A_45, %dma_wait3A_46] : memref<16x4x8x2048xf32, #tpu.memory_space<vmem_shared>> -> memref<1x1x8x2048xf32, #tpu.memory_space<vmem_shared>>
      %dma_wait3A_48 = tpu.memref_squeeze %dma_wait3A_47 : memref<1x1x8x2048xf32, #tpu.memory_space<vmem_shared>> -> memref<8x2048xf32, #tpu.memory_space<vmem_shared>>
      tpu.wait_dma2 semaphore(%arg13 : memref<!tpu.dma_semaphore, #tpu.memory_space<semaphore_mem>>) src(%dma_wait3A_48 : memref<8x2048xf32, #tpu.memory_space<vmem_shared>>) dst(%dma_wait3A_44 : memref<8x2048xf32, #tpu.memory_space<hbm>>)
      %dma_wait3A_49 = arith.constant 1 : i32
      %dma_wait3A_50 = arith.constant 0 : i32
      %dma_wait3A_51 = arith.constant 0 : i32
      %dma_wait3A_52 = tpu.memref_slice %arg4[%dma_wait3A_50, %dma_wait3A_51] : memref<8192x2048xf32, #tpu.memory_space<hbm>> -> memref<8x2048xf32, #tpu.memory_space<hbm>>
      %dma_wait3A_53 = arith.constant 0 : i32
      %dma_wait3A_54 = arith.constant 0 : i32
      %dma_wait3A_55 = tpu.memref_slice %arg6[%arg1, %dma_wait3A_49, %dma_wait3A_53, %dma_wait3A_54] : memref<16x4x8x2048xf32, #tpu.memory_space<vmem_shared>> -> memref<1x1x8x2048xf32, #tpu.memory_space<vmem_shared>>
      %dma_wait3A_56 = tpu.memref_squeeze %dma_wait3A_55 : memref<1x1x8x2048xf32, #tpu.memory_space<vmem_shared>> -> memref<8x2048xf32, #tpu.memory_space<vmem_shared>>
      tpu.wait_dma2 semaphore(%arg14 : memref<!tpu.dma_semaphore, #tpu.memory_space<semaphore_mem>>) src(%dma_wait3A_56 : memref<8x2048xf32, #tpu.memory_space<vmem_shared>>) dst(%dma_wait3A_52 : memref<8x2048xf32, #tpu.memory_space<hbm>>)
      %dma_wait3A_57 = arith.constant 2 : i32
      %dma_wait3A_58 = arith.constant 0 : i32
      %dma_wait3A_59 = arith.constant 0 : i32
      %dma_wait3A_60 = tpu.memref_slice %arg4[%dma_wait3A_58, %dma_wait3A_59] : memref<8192x2048xf32, #tpu.memory_space<hbm>> -> memref<8x2048xf32, #tpu.memory_space<hbm>>
      %dma_wait3A_61 = arith.constant 0 : i32
      %dma_wait3A_62 = arith.constant 0 : i32
      %dma_wait3A_63 = tpu.memref_slice %arg6[%arg1, %dma_wait3A_57, %dma_wait3A_61, %dma_wait3A_62] : memref<16x4x8x2048xf32, #tpu.memory_space<vmem_shared>> -> memref<1x1x8x2048xf32, #tpu.memory_space<vmem_shared>>
      %dma_wait3A_64 = tpu.memref_squeeze %dma_wait3A_63 : memref<1x1x8x2048xf32, #tpu.memory_space<vmem_shared>> -> memref<8x2048xf32, #tpu.memory_space<vmem_shared>>
      tpu.wait_dma2 semaphore(%arg15 : memref<!tpu.dma_semaphore, #tpu.memory_space<semaphore_mem>>) src(%dma_wait3A_64 : memref<8x2048xf32, #tpu.memory_space<vmem_shared>>) dst(%dma_wait3A_60 : memref<8x2048xf32, #tpu.memory_space<hbm>>)
      %dma_wait3A_65 = arith.constant 3 : i32
      %dma_wait3A_66 = arith.constant 0 : i32
      %dma_wait3A_67 = arith.constant 0 : i32
      %dma_wait3A_68 = tpu.memref_slice %arg4[%dma_wait3A_66, %dma_wait3A_67] : memref<8192x2048xf32, #tpu.memory_space<hbm>> -> memref<8x2048xf32, #tpu.memory_space<hbm>>
      %dma_wait3A_69 = arith.constant 0 : i32
      %dma_wait3A_70 = arith.constant 0 : i32
      %dma_wait3A_71 = tpu.memref_slice %arg6[%arg1, %dma_wait3A_65, %dma_wait3A_69, %dma_wait3A_70] : memref<16x4x8x2048xf32, #tpu.memory_space<vmem_shared>> -> memref<1x1x8x2048xf32, #tpu.memory_space<vmem_shared>>
      %dma_wait3A_72 = tpu.memref_squeeze %dma_wait3A_71 : memref<1x1x8x2048xf32, #tpu.memory_space<vmem_shared>> -> memref<8x2048xf32, #tpu.memory_space<vmem_shared>>
      tpu.wait_dma2 semaphore(%arg16 : memref<!tpu.dma_semaphore, #tpu.memory_space<semaphore_mem>>) src(%dma_wait3A_72 : memref<8x2048xf32, #tpu.memory_space<vmem_shared>>) dst(%dma_wait3A_68 : memref<8x2048xf32, #tpu.memory_space<hbm>>)
    } else {
    }
    %and3A_8 = arith.constant 7 : i32
    %and3A_9 = arith.andi %squeeze3A, %and3A_8 : i32
    %ne3A = arith.constant 0 : i32
    %ne3A_10 = arith.cmpi ne, %and3A_9, %ne3A : i32
    %convert_element_type3A_11 = arith.extui %ne3A_10 : i1 to i32
    %cond3A_12 = arith.constant 0 : i32
    %cond3A_13 = arith.cmpi ne, %convert_element_type3A_11, %cond3A_12 : i32
    scf.if %cond3A_13 {
      %iota3A = tpu.iota {dimensions = array<i32: 0>} : vector<16xi32>
      %add3A_14 = arith.constant 0 : i32
      %add3A_15 = arith.addi %mul3A_2, %add3A_14 : i32
      %add3A_16 = vector.broadcast %add3A_15 : i32 to vector<16xi32>
      %add3A_17 = arith.addi %iota3A, %add3A_16 : vector<16xi32>
      %add3A_18 = arith.addi %add3A_17, %get3A_4 : vector<16xi32>
      %and3A_19 = arith.constant 8191 : i32
      %and3A_20 = vector.broadcast %and3A_19 : i32 to vector<16xi32>
      %and3A_21 = arith.andi %add3A_18, %and3A_20 : vector<16xi32>
      %swap3A = arith.constant 0 : index
      %swap3A_22 = tpu.vector_load %arg7[%swap3A] {strides = array<i32>} : memref<256xi32, #tpu.memory_space<vmem>>, vector<16xi32>,
      %swap3A_23 = vector.shape_cast %swap3A_22 : vector<16xi32> to vector<16xi32>
      %swap3A_24 = vector.shape_cast %and3A_21 : vector<16xi32> to vector<16xi32>
      tpu.vector_store %arg7[%swap3A], %swap3A_24 {strides = array<i32>} : memref<256xi32, #tpu.memory_space<vmem>>, vector<16xi32>,
      %iota3A_25 = tpu.iota {dimensions = array<i32: 0>} : vector<16xi32>
      %add3A_26 = arith.constant 16 : i32
      %add3A_27 = arith.addi %mul3A_2, %add3A_26 : i32
      %add3A_28 = vector.broadcast %add3A_27 : i32 to vector<16xi32>
      %add3A_29 = arith.addi %iota3A_25, %add3A_28 : vector<16xi32>
      %add3A_30 = arith.addi %add3A_29, %get3A_4 : vector<16xi32>
      %and3A_31 = arith.constant 8191 : i32
      %and3A_32 = vector.broadcast %and3A_31 : i32 to vector<16xi32>
      %and3A_33 = arith.andi %add3A_30, %and3A_32 : vector<16xi32>
      %swap3A_34 = arith.constant 16 : index
      %swap3A_35 = tpu.vector_load %arg7[%swap3A_34] {strides = array<i32>} : memref<256xi32, #tpu.memory_space<vmem>>, vector<16xi32>,
      %swap3A_36 = vector.shape_cast %swap3A_35 : vector<16xi32> to vector<16xi32>
      %swap3A_37 = vector.shape_cast %and3A_33 : vector<16xi32> to vector<16xi32>
      tpu.vector_store %arg7[%swap3A_34], %swap3A_37 {strides = array<i32>} : memref<256xi32, #tpu.memory_space<vmem>>, vector<16xi32>,
      %iota3A_38 = tpu.iota {dimensions = array<i32: 0>} : vector<16xi32>
      %add3A_39 = arith.constant 32 : i32
      %add3A_40 = arith.addi %mul3A_2, %add3A_39 : i32
      %add3A_41 = vector.broadcast %add3A_40 : i32 to vector<16xi32>
      %add3A_42 = arith.addi %iota3A_38, %add3A_41 : vector<16xi32>
      %add3A_43 = arith.addi %add3A_42, %get3A_4 : vector<16xi32>
      %and3A_44 = arith.constant 8191 : i32
      %and3A_45 = vector.broadcast %and3A_44 : i32 to vector<16xi32>
      %and3A_46 = arith.andi %add3A_43, %and3A_45 : vector<16xi32>
      %swap3A_47 = arith.constant 32 : index
      %swap3A_48 = tpu.vector_load %arg7[%swap3A_47] {strides = array<i32>} : memref<256xi32, #tpu.memory_space<vmem>>, vector<16xi32>,
      %swap3A_49 = vector.shape_cast %swap3A_48 : vector<16xi32> to vector<16xi32>
      %swap3A_50 = vector.shape_cast %and3A_46 : vector<16xi32> to vector<16xi32>
      tpu.vector_store %arg7[%swap3A_47], %swap3A_50 {strides = array<i32>} : memref<256xi32, #tpu.memory_space<vmem>>, vector<16xi32>,
      %iota3A_51 = tpu.iota {dimensions = array<i32: 0>} : vector<16xi32>
      %add3A_52 = arith.constant 48 : i32
      %add3A_53 = arith.addi %mul3A_2, %add3A_52 : i32
      %add3A_54 = vector.broadcast %add3A_53 : i32 to vector<16xi32>
      %add3A_55 = arith.addi %iota3A_51, %add3A_54 : vector<16xi32>
      %add3A_56 = arith.addi %add3A_55, %get3A_4 : vector<16xi32>
      %and3A_57 = arith.constant 8191 : i32
      %and3A_58 = vector.broadcast %and3A_57 : i32 to vector<16xi32>
      %and3A_59 = arith.andi %add3A_56, %and3A_58 : vector<16xi32>
      %swap3A_60 = arith.constant 48 : index
      %swap3A_61 = tpu.vector_load %arg7[%swap3A_60] {strides = array<i32>} : memref<256xi32, #tpu.memory_space<vmem>>, vector<16xi32>,
      %swap3A_62 = vector.shape_cast %swap3A_61 : vector<16xi32> to vector<16xi32>
      %swap3A_63 = vector.shape_cast %and3A_59 : vector<16xi32> to vector<16xi32>
      tpu.vector_store %arg7[%swap3A_60], %swap3A_63 {strides = array<i32>} : memref<256xi32, #tpu.memory_space<vmem>>, vector<16xi32>,
      %iota3A_64 = tpu.iota {dimensions = array<i32: 0>} : vector<16xi32>
      %add3A_65 = arith.constant 64 : i32
      %add3A_66 = arith.addi %mul3A_2, %add3A_65 : i32
      %add3A_67 = vector.broadcast %add3A_66 : i32 to vector<16xi32>
      %add3A_68 = arith.addi %iota3A_64, %add3A_67 : vector<16xi32>
      %add3A_69 = arith.addi %add3A_68, %get3A_4 : vector<16xi32>
      %and3A_70 = arith.constant 8191 : i32
      %and3A_71 = vector.broadcast %and3A_70 : i32 to vector<16xi32>
      %and3A_72 = arith.andi %add3A_69, %and3A_71 : vector<16xi32>
      %swap3A_73 = arith.constant 64 : index
      %swap3A_74 = tpu.vector_load %arg7[%swap3A_73] {strides = array<i32>} : memref<256xi32, #tpu.memory_space<vmem>>, vector<16xi32>,
      %swap3A_75 = vector.shape_cast %swap3A_74 : vector<16xi32> to vector<16xi32>
      %swap3A_76 = vector.shape_cast %and3A_72 : vector<16xi32> to vector<16xi32>
      tpu.vector_store %arg7[%swap3A_73], %swap3A_76 {strides = array<i32>} : memref<256xi32, #tpu.memory_space<vmem>>, vector<16xi32>,
      %iota3A_77 = tpu.iota {dimensions = array<i32: 0>} : vector<16xi32>
      %add3A_78 = arith.constant 80 : i32
      %add3A_79 = arith.addi %mul3A_2, %add3A_78 : i32
      %add3A_80 = vector.broadcast %add3A_79 : i32 to vector<16xi32>
      %add3A_81 = arith.addi %iota3A_77, %add3A_80 : vector<16xi32>
      %add3A_82 = arith.addi %add3A_81, %get3A_4 : vector<16xi32>
      %and3A_83 = arith.constant 8191 : i32
      %and3A_84 = vector.broadcast %and3A_83 : i32 to vector<16xi32>
      %and3A_85 = arith.andi %add3A_82, %and3A_84 : vector<16xi32>
      %swap3A_86 = arith.constant 80 : index
      %swap3A_87 = tpu.vector_load %arg7[%swap3A_86] {strides = array<i32>} : memref<256xi32, #tpu.memory_space<vmem>>, vector<16xi32>,
      %swap3A_88 = vector.shape_cast %swap3A_87 : vector<16xi32> to vector<16xi32>
      %swap3A_89 = vector.shape_cast %and3A_85 : vector<16xi32> to vector<16xi32>
      tpu.vector_store %arg7[%swap3A_86], %swap3A_89 {strides = array<i32>} : memref<256xi32, #tpu.memory_space<vmem>>, vector<16xi32>,
      %iota3A_90 = tpu.iota {dimensions = array<i32: 0>} : vector<16xi32>
      %add3A_91 = arith.constant 96 : i32
      %add3A_92 = arith.addi %mul3A_2, %add3A_91 : i32
      %add3A_93 = vector.broadcast %add3A_92 : i32 to vector<16xi32>
      %add3A_94 = arith.addi %iota3A_90, %add3A_93 : vector<16xi32>
      %add3A_95 = arith.addi %add3A_94, %get3A_4 : vector<16xi32>
      %and3A_96 = arith.constant 8191 : i32
      %and3A_97 = vector.broadcast %and3A_96 : i32 to vector<16xi32>
      %and3A_98 = arith.andi %add3A_95, %and3A_97 : vector<16xi32>
      %swap3A_99 = arith.constant 96 : index
      %swap3A_100 = tpu.vector_load %arg7[%swap3A_99] {strides = array<i32>} : memref<256xi32, #tpu.memory_space<vmem>>, vector<16xi32>,
      %swap3A_101 = vector.shape_cast %swap3A_100 : vector<16xi32> to vector<16xi32>
      %swap3A_102 = vector.shape_cast %and3A_98 : vector<16xi32> to vector<16xi32>
      tpu.vector_store %arg7[%swap3A_99], %swap3A_102 {strides = array<i32>} : memref<256xi32, #tpu.memory_space<vmem>>, vector<16xi32>,
      %iota3A_103 = tpu.iota {dimensions = array<i32: 0>} : vector<16xi32>
      %add3A_104 = arith.constant 112 : i32
      %add3A_105 = arith.addi %mul3A_2, %add3A_104 : i32
      %add3A_106 = vector.broadcast %add3A_105 : i32 to vector<16xi32>
      %add3A_107 = arith.addi %iota3A_103, %add3A_106 : vector<16xi32>
      %add3A_108 = arith.addi %add3A_107, %get3A_4 : vector<16xi32>
      %and3A_109 = arith.constant 8191 : i32
      %and3A_110 = vector.broadcast %and3A_109 : i32 to vector<16xi32>
      %and3A_111 = arith.andi %add3A_108, %and3A_110 : vector<16xi32>
      %swap3A_112 = arith.constant 112 : index
      %swap3A_113 = tpu.vector_load %arg7[%swap3A_112] {strides = array<i32>} : memref<256xi32, #tpu.memory_space<vmem>>, vector<16xi32>,
      %swap3A_114 = vector.shape_cast %swap3A_113 : vector<16xi32> to vector<16xi32>
      %swap3A_115 = vector.shape_cast %and3A_111 : vector<16xi32> to vector<16xi32>
      tpu.vector_store %arg7[%swap3A_112], %swap3A_115 {strides = array<i32>} : memref<256xi32, #tpu.memory_space<vmem>>, vector<16xi32>,
      %iota3A_116 = tpu.iota {dimensions = array<i32: 0>} : vector<16xi32>
      %add3A_117 = arith.constant 128 : i32
      %add3A_118 = arith.addi %mul3A_2, %add3A_117 : i32
      %add3A_119 = vector.broadcast %add3A_118 : i32 to vector<16xi32>
      %add3A_120 = arith.addi %iota3A_116, %add3A_119 : vector<16xi32>
      %add3A_121 = arith.addi %add3A_120, %get3A_4 : vector<16xi32>
      %and3A_122 = arith.constant 8191 : i32
      %and3A_123 = vector.broadcast %and3A_122 : i32 to vector<16xi32>
      %and3A_124 = arith.andi %add3A_121, %and3A_123 : vector<16xi32>
      %swap3A_125 = arith.constant 128 : index
      %swap3A_126 = tpu.vector_load %arg7[%swap3A_125] {strides = array<i32>} : memref<256xi32, #tpu.memory_space<vmem>>, vector<16xi32>,
      %swap3A_127 = vector.shape_cast %swap3A_126 : vector<16xi32> to vector<16xi32>
      %swap3A_128 = vector.shape_cast %and3A_124 : vector<16xi32> to vector<16xi32>
      tpu.vector_store %arg7[%swap3A_125], %swap3A_128 {strides = array<i32>} : memref<256xi32, #tpu.memory_space<vmem>>, vector<16xi32>,
      %iota3A_129 = tpu.iota {dimensions = array<i32: 0>} : vector<16xi32>
      %add3A_130 = arith.constant 144 : i32
      %add3A_131 = arith.addi %mul3A_2, %add3A_130 : i32
      %add3A_132 = vector.broadcast %add3A_131 : i32 to vector<16xi32>
      %add3A_133 = arith.addi %iota3A_129, %add3A_132 : vector<16xi32>
      %add3A_134 = arith.addi %add3A_133, %get3A_4 : vector<16xi32>
      %and3A_135 = arith.constant 8191 : i32
      %and3A_136 = vector.broadcast %and3A_135 : i32 to vector<16xi32>
      %and3A_137 = arith.andi %add3A_134, %and3A_136 : vector<16xi32>
      %swap3A_138 = arith.constant 144 : index
      %swap3A_139 = tpu.vector_load %arg7[%swap3A_138] {strides = array<i32>} : memref<256xi32, #tpu.memory_space<vmem>>, vector<16xi32>,
      %swap3A_140 = vector.shape_cast %swap3A_139 : vector<16xi32> to vector<16xi32>
      %swap3A_141 = vector.shape_cast %and3A_137 : vector<16xi32> to vector<16xi32>
      tpu.vector_store %arg7[%swap3A_138], %swap3A_141 {strides = array<i32>} : memref<256xi32, #tpu.memory_space<vmem>>, vector<16xi32>,
      %iota3A_142 = tpu.iota {dimensions = array<i32: 0>} : vector<16xi32>
      %add3A_143 = arith.constant 160 : i32
      %add3A_144 = arith.addi %mul3A_2, %add3A_143 : i32
      %add3A_145 = vector.broadcast %add3A_144 : i32 to vector<16xi32>
      %add3A_146 = arith.addi %iota3A_142, %add3A_145 : vector<16xi32>
      %add3A_147 = arith.addi %add3A_146, %get3A_4 : vector<16xi32>
      %and3A_148 = arith.constant 8191 : i32
      %and3A_149 = vector.broadcast %and3A_148 : i32 to vector<16xi32>
      %and3A_150 = arith.andi %add3A_147, %and3A_149 : vector<16xi32>
      %swap3A_151 = arith.constant 160 : index
      %swap3A_152 = tpu.vector_load %arg7[%swap3A_151] {strides = array<i32>} : memref<256xi32, #tpu.memory_space<vmem>>, vector<16xi32>,
      %swap3A_153 = vector.shape_cast %swap3A_152 : vector<16xi32> to vector<16xi32>
      %swap3A_154 = vector.shape_cast %and3A_150 : vector<16xi32> to vector<16xi32>
      tpu.vector_store %arg7[%swap3A_151], %swap3A_154 {strides = array<i32>} : memref<256xi32, #tpu.memory_space<vmem>>, vector<16xi32>,
      %iota3A_155 = tpu.iota {dimensions = array<i32: 0>} : vector<16xi32>
      %add3A_156 = arith.constant 176 : i32
      %add3A_157 = arith.addi %mul3A_2, %add3A_156 : i32
      %add3A_158 = vector.broadcast %add3A_157 : i32 to vector<16xi32>
      %add3A_159 = arith.addi %iota3A_155, %add3A_158 : vector<16xi32>
      %add3A_160 = arith.addi %add3A_159, %get3A_4 : vector<16xi32>
      %and3A_161 = arith.constant 8191 : i32
      %and3A_162 = vector.broadcast %and3A_161 : i32 to vector<16xi32>
      %and3A_163 = arith.andi %add3A_160, %and3A_162 : vector<16xi32>
      %swap3A_164 = arith.constant 176 : index
      %swap3A_165 = tpu.vector_load %arg7[%swap3A_164] {strides = array<i32>} : memref<256xi32, #tpu.memory_space<vmem>>, vector<16xi32>,
      %swap3A_166 = vector.shape_cast %swap3A_165 : vector<16xi32> to vector<16xi32>
      %swap3A_167 = vector.shape_cast %and3A_163 : vector<16xi32> to vector<16xi32>
      tpu.vector_store %arg7[%swap3A_164], %swap3A_167 {strides = array<i32>} : memref<256xi32, #tpu.memory_space<vmem>>, vector<16xi32>,
      %iota3A_168 = tpu.iota {dimensions = array<i32: 0>} : vector<16xi32>
      %add3A_169 = arith.constant 192 : i32
      %add3A_170 = arith.addi %mul3A_2, %add3A_169 : i32
      %add3A_171 = vector.broadcast %add3A_170 : i32 to vector<16xi32>
      %add3A_172 = arith.addi %iota3A_168, %add3A_171 : vector<16xi32>
      %add3A_173 = arith.addi %add3A_172, %get3A_4 : vector<16xi32>
      %and3A_174 = arith.constant 8191 : i32
      %and3A_175 = vector.broadcast %and3A_174 : i32 to vector<16xi32>
      %and3A_176 = arith.andi %add3A_173, %and3A_175 : vector<16xi32>
      %swap3A_177 = arith.constant 192 : index
      %swap3A_178 = tpu.vector_load %arg7[%swap3A_177] {strides = array<i32>} : memref<256xi32, #tpu.memory_space<vmem>>, vector<16xi32>,
      %swap3A_179 = vector.shape_cast %swap3A_178 : vector<16xi32> to vector<16xi32>
      %swap3A_180 = vector.shape_cast %and3A_176 : vector<16xi32> to vector<16xi32>
      tpu.vector_store %arg7[%swap3A_177], %swap3A_180 {strides = array<i32>} : memref<256xi32, #tpu.memory_space<vmem>>, vector<16xi32>,
      %iota3A_181 = tpu.iota {dimensions = array<i32: 0>} : vector<16xi32>
      %add3A_182 = arith.constant 208 : i32
      %add3A_183 = arith.addi %mul3A_2, %add3A_182 : i32
      %add3A_184 = vector.broadcast %add3A_183 : i32 to vector<16xi32>
      %add3A_185 = arith.addi %iota3A_181, %add3A_184 : vector<16xi32>
      %add3A_186 = arith.addi %add3A_185, %get3A_4 : vector<16xi32>
      %and3A_187 = arith.constant 8191 : i32
      %and3A_188 = vector.broadcast %and3A_187 : i32 to vector<16xi32>
      %and3A_189 = arith.andi %add3A_186, %and3A_188 : vector<16xi32>
      %swap3A_190 = arith.constant 208 : index
      %swap3A_191 = tpu.vector_load %arg7[%swap3A_190] {strides = array<i32>} : memref<256xi32, #tpu.memory_space<vmem>>, vector<16xi32>,
      %swap3A_192 = vector.shape_cast %swap3A_191 : vector<16xi32> to vector<16xi32>
      %swap3A_193 = vector.shape_cast %and3A_189 : vector<16xi32> to vector<16xi32>
      tpu.vector_store %arg7[%swap3A_190], %swap3A_193 {strides = array<i32>} : memref<256xi32, #tpu.memory_space<vmem>>, vector<16xi32>,
      %iota3A_194 = tpu.iota {dimensions = array<i32: 0>} : vector<16xi32>
      %add3A_195 = arith.constant 224 : i32
      %add3A_196 = arith.addi %mul3A_2, %add3A_195 : i32
      %add3A_197 = vector.broadcast %add3A_196 : i32 to vector<16xi32>
      %add3A_198 = arith.addi %iota3A_194, %add3A_197 : vector<16xi32>
      %add3A_199 = arith.addi %add3A_198, %get3A_4 : vector<16xi32>
      %and3A_200 = arith.constant 8191 : i32
      %and3A_201 = vector.broadcast %and3A_200 : i32 to vector<16xi32>
      %and3A_202 = arith.andi %add3A_199, %and3A_201 : vector<16xi32>
      %swap3A_203 = arith.constant 224 : index
      %swap3A_204 = tpu.vector_load %arg7[%swap3A_203] {strides = array<i32>} : memref<256xi32, #tpu.memory_space<vmem>>, vector<16xi32>,
      %swap3A_205 = vector.shape_cast %swap3A_204 : vector<16xi32> to vector<16xi32>
      %swap3A_206 = vector.shape_cast %and3A_202 : vector<16xi32> to vector<16xi32>
      tpu.vector_store %arg7[%swap3A_203], %swap3A_206 {strides = array<i32>} : memref<256xi32, #tpu.memory_space<vmem>>, vector<16xi32>,
      %iota3A_207 = tpu.iota {dimensions = array<i32: 0>} : vector<16xi32>
      %add3A_208 = arith.constant 240 : i32
      %add3A_209 = arith.addi %mul3A_2, %add3A_208 : i32
      %add3A_210 = vector.broadcast %add3A_209 : i32 to vector<16xi32>
      %add3A_211 = arith.addi %iota3A_207, %add3A_210 : vector<16xi32>
      %add3A_212 = arith.addi %add3A_211, %get3A_4 : vector<16xi32>
      %and3A_213 = arith.constant 8191 : i32
      %and3A_214 = vector.broadcast %and3A_213 : i32 to vector<16xi32>
      %and3A_215 = arith.andi %add3A_212, %and3A_214 : vector<16xi32>
      %swap3A_216 = arith.constant 240 : index
      %swap3A_217 = tpu.vector_load %arg7[%swap3A_216] {strides = array<i32>} : memref<256xi32, #tpu.memory_space<vmem>>, vector<16xi32>,
      %swap3A_218 = vector.shape_cast %swap3A_217 : vector<16xi32> to vector<16xi32>
      %swap3A_219 = vector.shape_cast %and3A_215 : vector<16xi32> to vector<16xi32>
      tpu.vector_store %arg7[%swap3A_216], %swap3A_219 {strides = array<i32>} : memref<256xi32, #tpu.memory_space<vmem>>, vector<16xi32>,
      %scan3A = arith.constant 0 : i32
      %scan3A_220 = arith.constant 32 : i32
      %scan3A_221 = arith.addi %scan3A, %scan3A_220 : i32
      %scan3A_222 = arith.constant 1 : i32
      scf.for %scan3A_224 = %scan3A to %scan3A_221 step %scan3A_222  : i32 {
        %mul3A_225 = arith.constant 1 : i32
        %mul3A_226 = arith.muli %scan3A_224, %mul3A_225 : i32
        %add3A_227 = arith.constant 0 : i32
        %add3A_228 = arith.addi %add3A_227, %mul3A_226 : i32
        %mul3A_229 = arith.constant 8 : i32
        %mul3A_230 = arith.muli %add3A_228, %mul3A_229 : i32
        "tpu.region"() ({
          %run_scoped3A = tpu.sem_alloc : memref<!tpu.dma_semaphore, #tpu.memory_space<semaphore_mem>>
          %dma_start3A = tpu.memref_slice %arg7[%mul3A_230] : memref<256xi32, #tpu.memory_space<vmem>> -> memref<8xi32, #tpu.memory_space<vmem>>
          %dma_start3A_234 = arith.constant 0 : i32
          %dma_start3A_235 = arith.constant 0 : i32
          %dma_start3A_236 = tpu.memref_slice %arg3[%dma_start3A_234, %dma_start3A_235] : memref<8192x2048xf32, #tpu.memory_space<hbm>> -> memref<8192x2048xf32, #tpu.memory_space<hbm>>
          tpu.enqueue_indirect_dma source(%dma_start3A_236 : memref<8192x2048xf32, #tpu.memory_space<hbm>>) target(%arg8 : memref<8x2048xf32, #tpu.memory_space<vmem>>) offsets(%dma_start3A : memref<8xi32, #tpu.memory_space<vmem>>) semaphore(%run_scoped3A : memref<!tpu.dma_semaphore, #tpu.memory_space<semaphore_mem>>)
          %dma_wait3A = tpu.memref_slice %arg7[%mul3A_230] : memref<256xi32, #tpu.memory_space<vmem>> -> memref<8xi32, #tpu.memory_space<vmem>>
          %dma_wait3A_237 = arith.constant 0 : i32
          %dma_wait3A_238 = arith.constant 0 : i32
          %dma_wait3A_239 = tpu.memref_slice %arg3[%dma_wait3A_237, %dma_wait3A_238] : memref<8192x2048xf32, #tpu.memory_space<hbm>> -> memref<8192x2048xf32, #tpu.memory_space<hbm>>
          tpu.wait_indirect_dma semaphore(%run_scoped3A : memref<!tpu.dma_semaphore, #tpu.memory_space<semaphore_mem>>) src(%dma_wait3A_239 : memref<8192x2048xf32, #tpu.memory_space<hbm>>) dst(%arg8 : memref<8x2048xf32, #tpu.memory_space<vmem>>)
          tpu.yield
        }) : () -> ()
        %mul3A_231 = arith.constant 8 : i32
        %mul3A_232 = arith.muli %add3A_228, %mul3A_231 : i32
        %add3A_233 = arith.addi %mul3A_2, %mul3A_232 : i32
        "tpu.region"() ({
          %run_scoped3A = tpu.sem_alloc : memref<!tpu.dma_semaphore, #tpu.memory_space<semaphore_mem>>
          %dma_start3A = arith.constant 0 : i32
          %dma_start3A_234 = tpu.memref_slice %arg4[%add3A_233, %dma_start3A] : memref<8192x2048xf32, #tpu.memory_space<hbm>> -> memref<8x2048xf32, #tpu.memory_space<hbm>>
          %dma_start3A_235 = arith.constant 0 : i32
          %dma_start3A_236 = tpu.memref_slice %arg4[%add3A_233, %dma_start3A_235] : memref<8192x2048xf32, #tpu.memory_space<hbm>> -> memref<8x2048xf32, #tpu.memory_space<hbm>>
          tpu.enqueue_dma source(%arg8 : memref<8x2048xf32, #tpu.memory_space<vmem>>) target(%dma_start3A_236 : memref<8x2048xf32, #tpu.memory_space<hbm>>) target_semaphore(%run_scoped3A : memref<!tpu.dma_semaphore, #tpu.memory_space<semaphore_mem>>)
          %dma_wait3A = arith.constant 0 : i32
          %dma_wait3A_237 = tpu.memref_slice %arg4[%add3A_233, %dma_wait3A] : memref<8192x2048xf32, #tpu.memory_space<hbm>> -> memref<8x2048xf32, #tpu.memory_space<hbm>>
          %dma_wait3A_238 = arith.constant 0 : i32
          %dma_wait3A_239 = tpu.memref_slice %arg4[%add3A_233, %dma_wait3A_238] : memref<8192x2048xf32, #tpu.memory_space<hbm>> -> memref<8x2048xf32, #tpu.memory_space<hbm>>
          tpu.wait_dma2 semaphore(%run_scoped3A : memref<!tpu.dma_semaphore, #tpu.memory_space<semaphore_mem>>) src(%arg8 : memref<8x2048xf32, #tpu.memory_space<vmem>>) dst(%dma_wait3A_239 : memref<8x2048xf32, #tpu.memory_space<hbm>>)
          tpu.yield
        }) : () -> ()
      }
      %scan3A_223 = arith.constant 32 : i32
    } else {
    }
    return
  }
}

</mosaic_0001>

<sc_bundles>
// kernel: kernel.3.cloned.1.call-start
scs
__scs_entry_jumppad:
0x0: {  	(pc) =	sbr.rel $0x88, $3  }
0x1: {  	(tag) =	ssettag $0x0;
	lr =	simm.s32 $0x1  }
0x2: {  	[smem:$0x3F9F] =	sst lr;
	_ =	strace $0xD0000000  }
0x3: {  	_ = 	snop  }
0x4: {  	_ = 	snop  }
0x5: {  	_ = 	snop  }
0x6: {  	_ = 	snop  }
0x7: {  	_ = 	snop  }
__scs_overlays_trampoline_lowered:
0x8: {  	[smem:$0x3FAE] =	sst s0  }
0x9: {  	[smem:$0x3FAF] =	sst s1  }
0xa: {  	[smem:$0x3FB0] =	sst s2  }
0xb: {  	[smem:$0x3FB1] =	sst s3  }
0xc: {  	[smem:$0x3FB2] =	sst s4  }
0xd: {  	[smem:$0x3FB3] =	sst s5  }
0xe: {  	[smem:$0x3FB4] =	sst s6  }
0xf: {  	[smem:$0x3FB5] =	sst s7  }
0x10: {  	[smem:$0x3FB6] =	sst s8  }
0x11: {  	[smem:$0x3FB7] =	sst s9;
	s0 =	simm.s32 @!p0 $0x0  }
0x12: {  	s1 =	sld [smem:$0x3F9D];
	s0 =	simm.s32 @p0 $0x1  }
0x13: {  	[smem:$0x3FB8] =	sst s0;
	s0 =	simm.s32 @!p1 $0x0  }
0x14: {  	s2 =	sld [smem:$0x3F9C];
	s0 =	simm.s32 @p1 $0x1  }
0x15: {  	[smem:$0x3FB9] =	sst s0;
	s0 =	simm.s32 @!p2 $0x0  }
0x16: {  	s3 =	sld [smem:$0x3FDB];
	s0 =	simm.s32 @p2 $0x1  }
0x17: {  	s4 =	simm.s32 $0x1BF5;
	[smem:$0x3FBB] =	sst s0  }
0x18: {  	s0 =	sld [smem:$0x3F9E];
	_ =	swait.ge [sflag:s4], $0x0  }
0x19: {  	s7 =	sld [smem:$0x3F9F]  }
0x1a: {  	s8 =	sadd.s32 $0xFFFFE003, lr  }
0x1b: {  	s9 =	sadd.s32 $0xFFFFFEF7, lr;
	s5 =	simm.s32 $0xFFFFFFFF;
	p2 =	slt.u32 s8, $0xFFFFF086  }
0x1c: {  	p1 =	slt.u32 s9, $0xF7A;
	s5 =	simm.s32 @!p2 $0x0  }
0x1d: {  	s5 =	simm.s32 @p1 $0x1;
	p0 =	seq.s32 s7, s2  }
0x1e: {  	s7 =	smul.u32 @!p0 $0xF7A, s2;
	p2 =	seq.s32 @!p0 s5, $0x0  }
0x1f: {  	s9 =	smul.u32 $0xF7A, s1;
	s8 =	simm.s32 @!p0 $0x1BF5;
	p2 =	por !p2, p0  }
0x20: {  	[sflag:s8] =	ssyncset.s32 @!p0 $0xFFFFF086;
	s6 =	sadd.s32 @!p0 s3, s7;
	s7 =	simm.s32 @!p0 $0x108  }
0x21: {  	s3 =	sadd.s32 s3, s9;
	s6 =	sadd.s32 @!p0 $0x88, s6;
	s7 =	simm.s32 @p2 $0x1082  }
0x22: {  	[simem:s7], [sflag:s8] =	dma.local @!p0 [hbm:s6], $0xF7A  }
0x23: {  	s9 =	sor.u32 $0xD0000000, s2;
	s6 =	simm.s32 $0x108;
	_ =	swait.ge @!p0 [sflag:s8], $0x0  }
0x24: {  	s3 =	sadd.s32 $0x88, s3;
	s6 =	simm.s32 @!p1 $0x1082;
	[sflag:s4] =	ssyncset.s32 $0xFFFFF086  }
0x25: {  	[simem:s6], [sflag:s4] =	dma.local [hbm:s3], $0xF7A  }
0x26: {  	[smem:$0x3F9F] =	sst s1;
	(tag) =	ssettag s2;
	_ =	strace s9  }
0x27: {  	s1 =	sld [smem:$0x3FAF]  }
0x28: {  	s2 =	sld [smem:$0x3FB0]  }
0x29: {  	s4 =	sld [smem:$0x3FB2]  }
0x2a: {  	p0 =	seq.s32 s5, $0x0;
	s5 =	sld [smem:$0x3FB3]  }
0x2b: {  	s6 =	sld [smem:$0x3FB4]  }
0x2c: {  	s7 =	sld [smem:$0x3FB5]  }
0x2d: {  	s3 =	simm.s32 $0x108;
	s8 =	sld [smem:$0x3FB6]  }
0x2e: {  	s3 =	simm.s32 @!p0 $0x1082;
	s9 =	sld [smem:$0x3FB7]  }
0x2f: {  	lr =	sadd.s32 s0, s3;
	s0 =	sld [smem:$0x3FAE]  }
0x30: {  	s3 =	sld [smem:$0x3FB1]  }
0x31: {  	[smem:$0x3FBA] =	sst s10  }
0x32: {  	s10 =	sld [smem:$0x3FB8];
	_ =	sdelay $0x3  }
0x33: {  	p0 =	seq.s32 s10, $0x1;
	s10 =	sld [smem:$0x3FBA];
	_ =	sdelay $0x3  }
0x34: {  	[smem:$0x3FBA] =	sst s10  }
0x35: {  	s10 =	sld [smem:$0x3FB9];
	_ =	sdelay $0x3  }
0x36: {  	p1 =	seq.s32 s10, $0x1;
	s10 =	sld [smem:$0x3FBA];
	_ =	sdelay $0x3  }
0x37: {  	[smem:$0x3FBA] =	sst s10  }
0x38: {  	s10 =	sld [smem:$0x3FBB]  }
0x39: {  	_ = 	snop;
	(pc) =	sbr.ind lr, $3  }
0x3a: {  	_ = 	snop  }
0x3b: {  	_ = 	snop  }
0x3c: {  	p2 =	seq.s32 s10, $0x1;
	s10 =	sld [smem:$0x3FBA]  }
0x3d: {  	_ =	shalt  }
0x3e: {  	_ =	shalt  }
0x3f: {  	_ =	shalt  }
0x40: {  	_ =	shalt  }
0x41: {  	_ =	shalt  }
0x42: {  	_ =	shalt  }
0x43: {  	_ =	shalt  }
0x44: {  	_ =	shalt  }
0x45: {  	_ =	shalt  }
0x46: {  	_ =	shalt  }
0x47: {  	_ =	shalt  }
0x48: {  	_ =	shalt  }
0x49: {  	_ =	shalt  }
0x4a: {  	_ =	shalt  }
0x4b: {  	_ =	shalt  }
0x4c: {  	_ =	shalt  }
0x4d: {  	_ =	shalt  }
0x4e: {  	_ =	shalt  }
0x4f: {  	_ =	shalt  }
0x50: {  	_ =	shalt  }
0x51: {  	_ =	shalt  }
0x52: {  	_ =	shalt  }
0x53: {  	_ =	shalt  }
0x54: {  	_ =	shalt  }
0x55: {  	_ =	shalt  }
0x56: {  	_ =	shalt  }
0x57: {  	_ =	shalt  }
0x58: {  	_ =	shalt  }
0x59: {  	_ =	shalt  }
0x5a: {  	_ =	shalt  }
0x5b: {  	_ =	shalt  }
0x5c: {  	_ =	shalt  }
0x5d: {  	_ =	shalt  }
0x5e: {  	_ =	shalt  }
0x5f: {  	_ =	shalt  }
0x60: {  	_ =	shalt  }
0x61: {  	_ =	shalt  }
0x62: {  	_ =	shalt  }
0x63: {  	_ =	shalt  }
0x64: {  	_ =	shalt  }
0x65: {  	_ =	shalt  }
0x66: {  	_ =	shalt  }
0x67: {  	_ =	shalt  }
0x68: {  	_ =	shalt  }
0x69: {  	_ =	shalt  }
0x6a: {  	_ =	shalt  }
0x6b: {  	_ =	shalt  }
0x6c: {  	_ =	shalt  }
0x6d: {  	_ =	shalt  }
0x6e: {  	_ =	shalt  }
0x6f: {  	_ =	shalt  }
0x70: {  	_ =	shalt  }
0x71: {  	_ =	shalt  }
0x72: {  	_ =	shalt  }
0x73: {  	_ =	shalt  }
0x74: {  	_ =	shalt  }
0x75: {  	_ =	shalt  }
0x76: {  	_ =	shalt  }
0x77: {  	_ =	shalt  }
0x78: {  	_ =	shalt  }
0x79: {  	_ =	shalt  }
0x7a: {  	_ =	shalt  }
0x7b: {  	_ =	shalt  }
0x7c: {  	_ =	shalt  }
0x7d: {  	_ =	shalt  }
0x7e: {  	_ =	shalt  }
0x7f: {  	_ =	shalt  }
0x80: {  	_ =	shalt  }
0x81: {  	_ =	shalt  }
0x82: {  	_ =	shalt  }
0x83: {  	_ =	shalt  }
0x84: {  	_ =	shalt  }
0x85: {  	_ =	shalt  }
0x86: {  	_ =	shalt  }
0x87: {  	_ =	shalt  }
.Lfunc_end0:
.L_simem_size_0:
called_computation_lowered:
.L_overlay_start_0:
0x88: {  	s2 =	sld [smem:$0x3FD9]  }
0x89: {  	s3 =	sld [smem:$0x3FFE];
	_ =	sdelay $0x1  }
0x8a: {  	s1 =	srdreg.scid  }
0x8b: {  	s0 =	sand.u32 $0x1, s1  }
0x8c: {  	s17 =	sshll.u32 s0, $0xA;
	s2 =	sadd.s32 s3, s2  }
0x8d: {  	s2 =	sadd.s32 s2, s17  }
0x8e: {  	[smem:$0x3FC6] =	sst s2  }
0x8f: {  	_ = 	snop  }
0x90: {  	s2 =	sld [smem:$0x3FC8]  }
0x91: {  	s18 =	sld [smem:$0x3FD0];
	(tm) =	ssettm $0x1  }
0x92: {  	s4 =	sld [smem:$0x3FFB];
	_ =	sdelay $0x3  }
0x93: {  	_ =	strace s4  }
0x94: {  	s4 =	sld [smem:$0x3FFC];
	_ =	sdelay $0x3  }
0x95: {  	_ =	strace s4  }
0x96: {  	s4 =	sld [smem:$0x3FFD];
	_ =	sdelay $0x3  }
0x97: {  	_ =	strace s4  }
0x98: {  	_ =	strace $0x8FFFFFFF  }
0x99: {  	s19 =	sld [smem:$0x3FDB];
	_ =	sdelay $0x1  }
0x9a: {  	s5 =	simm.s32 $_scs_section_size  }
0x9b: {  	s6 =	simm.s32 $_size__tile_overlayer_lowered;
	s7 =	simm.s32 $_tile_overlayer_lowered  }
0x9c: {  	s22 =	simm.s32 $0x1BFF;
	s21 =	sshll.u32 s7, $0x1;
	s4 =	sadd.s32 s5, s19  }
0x9d: {  	s8 =	simm.s32 $0x0;
	s20 =	sshll.u32 s6, $0x1;
	s6 =	sadd.s32 s21, s4  }
0x9e: {  	[timem:s8], [sflag:s22] =	dma.local [hbm:s6], s20  }
0x9f: {  	_ =	swait.ge [sflag:s22], s20  }
0xa0: {  	s5 =	ssub.s32 $0x0, s20;
	[sflag:s22] =	ssyncset.done $0x0  }
0xa1: {  	[sflag:s22] =	ssyncadd.s32 s5;
	_ =	sdelay $0x1  }
0xa2: {  	s23 =	simm.s32 $0x1B8B  }
0xa3: {  	_ =	swait.ge [sflag:s23], $0x1  }
0xa4: {  	[sflag:s23] =	ssyncset.done $0x0  }
0xa5: {  	s25 =	simm.s32 $0x1B8E;
	s24 =	sld [smem:$0x3FFE];
	[sflag:s23] =	ssyncadd.s32 $0xFFFFFFFF  }
0xa6: {  	s26 =	simm.s32 $execute0_lowered;
	[smem:$0x3FD2] =	sst s25  }
0xa7: {  	s6 =	sshll.u32 s26, $0x1;
	_ =	strace $0x80000046;
	[dreg:$0x1] =	wrdreg $0xFFFFFFFF  }
0xa8: {  	s28 =	simm.s32 $_size_execute0_lowered;
	s4 =	sadd.s32 s4, s6;
	[dreg:$0x0] =	wrdreg $0x0  }
0xa9: {  	s6 =	sshll.u32 s28, $0x1;
	[dreg:$0x2] =	wrdreg s4  }
0xaa: {  	[dreg:$0x3] =	wrdreg s6  }
0xab: {  	[dreg:$0x4] =	wrdreg $0xC0  }
0xac: {  	_ =	task [dreg:s8], $0x5FFFF  }
0xad: {  	[dreg:$0x1] =	wrdreg $0xFFFFFFFF  }
0xae: {  	[dreg:$0x0] =	wrdreg $0x60  }
0xaf: {  	[dreg:$0x2] =	wrdreg s24  }
0xb0: {  	[dreg:$0x3] =	wrdreg s2  }
0xb1: {  	[dreg:$0x4] =	wrdreg s18  }
0xb2: {  	[dreg:$0x5] =	wrdreg $0x800  }
0xb3: {  	[dreg:$0x6] =	wrdreg $0x9  }
0xb4: {  	_ =	task.clear_ibuf [dreg:s8], $0x7FFFF;
	_ =	strace $0x90000046  }
0xb5: {  	s29 =	simm.s32 $0x9;
	_ =	strace $0x80000048  }
0xb6: {  	_ =	swait.ge [sflag:s29], $0x1  }
0xb7: {  	[sflag:s29] =	ssyncadd.s32 $0xFFFFFFFF  }
0xb8: {  	_ =	strace $0x90000048  }
0xb9: {  	_ =	sfence  }
0xba: {  	s30 =	sld [smem:$0x0];
	_ =	sdelay $0x2  }
0xbb: {  	s31 =	sshll.u32 s1, $0xD;
	s1 =	sshrl.u32 s1, $0x2  }
0xbc: {  	s3 =	sand.u32 $0x4000, s31;
	s1 =	sadd.s32 s1, s30  }
0xbd: {  	s0 =	sor.u32 s3, s0;
	s1 =	sshll.u32 s1, $0x11  }
0xbe: {  	s0 =	sor.u32 s1, s0  }
0xbf: {  	s0 =	sadd.s32 $0x8F2B, s0  }
0xc0: {  	[sflag:s0] =	ssyncadd.remote.s32 $0x1  }
0xc1: {  	_ =	sfence.sel $0xFFFF  }
0xc2: {  	[dreg:$0x0] =	wrdreg $0xFFFFFFFF;
	(pc) =	sbr.abs _section_cstart, $3  }
0xc3: {  	[dreg:$0x1] =	wrdreg $0xFFFFFFFF  }
0xc4: {  	_ =	task.clear_ibuf [dreg:s8], $0x2FFFF;
	_ =	strace $0x9FFFFFFF  }
0xc5: {  	(tm) =	ssettm $0x7FFFFFFF  }
tec
execute0_lowered:
.L_overlay_start_1:
0x0: {  	(tag) =	ssettag $0x1  }
0x1: {  	s0 =	rddreg [dreg:$0x0]  }
0x2: {  	s1 =	rddreg [dreg:$0x1]  }
0x3: {  	s3 =	rddreg [dreg:$0x2]  }
0x4: {  	s4 =	rddreg [dreg:$0x3];
	s2 =	simm.s32 $0x0;
	s5 =	srdreg.scid  }
0x5: {  	s12 =	stileid.u32;
	[smem:$0x7FF] =	sst s2;
	s5 =	sand.u32 $0x1, s5  }
0x6: {  	s8 =	sshll.u32 s12, $0x9;
	s21 =	sadd.s32 $0x400, s0;
	s13 =	sshll.u32 s12, $0x10  }
0x7: {  	s11 =	sshll.u32 s12, $0x11;
	s31 =	sadd.s32 $0x200, s1;
	_ =	strace $0x80000047  }
0x8: {  	s6 =	ssub.s32 $0x2, s5;
	s9 =	sshll.u32 s5, $0x8;
	[dreg:$0xa] =	wrdreg s21  }
0x9: {  	s13 =	sadd.s32 s13, s4;
	s5 =	sshll.u32 s5, $0x10;
	[dreg:$0xf] =	wrdreg s31  }
0xa: {  	s7 =	sshrl.u32 s6, $0x1;
	s30 =	sor.u32 s9, s8;
	s9 =	sadd.s32 $0xC000, s13  }
0xb: {  	s16 =	sor.u32 s5, s11;
	s0 =	ssub.s32 s6, s7;
	s6 =	sor.u32 $0x10, s30  }
0xc: {  	s7 =	sor.u32 $0x20, s30;
	s8 =	sor.u32 $0x30, s30;
	s10 =	sor.u32 $0x40, s30  }
0xd: {  	s17 =	sor.u32 $0x50, s30;
	s18 =	sor.u32 $0x60, s30;
	s22 =	sor.u32 $0x70, s30  }
0xe: {  	s23 =	sor.u32 $0x80, s30;
	s24 =	sor.u32 $0x90, s30;
	s25 =	sor.u32 $0xA0, s30  }
0xf: {  	s26 =	sor.u32 $0xB0, s30;
	s28 =	sor.u32 $0xC0, s30;
	[dreg:$0x5] =	wrdreg s9  }
0x10: {  	s14 =	sshll.u32 s30, $0x8;
	s29 =	sor.u32 $0xD0, s30;
	[dreg:$0xc] =	wrdreg s16  }
0x11: {  	s9 =	smov.u32 s13;
	s16 =	sadd.s32 $0x500, s1;
	[dreg:$0xb] =	wrdreg s30  }
0x12: {  	s4 =	sadd.s32 s14, s3;
	s3 =	sadd.s32 s11, s3;
	s11 =	sadd.s32 $0x100, s1  }
0x13: {  	v16 =	vlaneseq.u32;
	s14 =	smax.u32 s0, $0x1;
	[dreg:$0x12] =	wrdreg s16;
	s16 =	sadd.s32 $0x700, s1  }
0x14: {  	v4 =	vor.u32 s17, v16;
	s17 =	simm.s32 $0x1;
	v6 =	vor.u32 s22, v16;
	v7 =	vor.u32 s23, v16;
	s23 =	simm.s32 $0x2;
	s22 =	simm.s32 $0x4  }
0x15: {  	v5 =	vor.u32 s18, v16;
	v8 =	vor.u32 s24, v16;
	v12 =	vor.u32 s29, v16;
	s29 =	simm.s32 $0x10180;
	s18 =	simm.s32 $0x10980;
	s24 =	simm.s32 $0x11180  }
0x16: {  	v9 =	vor.u32 s25, v16;
	v10 =	vor.u32 s26, v16;
	s25 =	simm.s32 $0x11980;
	s26 =	simm.s32 $0x12180;
	[dreg:$0xd] =	wrdreg s11  }
0x17: {  	v11 =	vor.u32 s28, v16;
	s28 =	simm.s32 $0x12980;
	s15 =	sadd.s32 $0xF000, s4;
	[dreg:$0xe] =	wrdreg s14  }
0x18: {  	s0 =	simm.s32 $0x0;
	s19 =	sadd.s32 $0x1800, s4;
	[dreg:$0x6] =	wrdreg s15  }
0x19: {  	s13 =	sadd.s32 s5, s3;
	s20 =	sadd.s32 $0x1000, s4;
	[dreg:$0x7] =	wrdreg s19  }
0x1a: {  	s5 =	sor.u32 $0xE0, s30;
	s3 =	sadd.s32 $0x300, s1;
	[dreg:$0x8] =	wrdreg s20  }
.Ltmp0:
0x1b: {  	[dreg:$0x10] =	wrdreg s3;
	s15 =	sadd.s32 $0x400, s1;
	(pc) =	sbr.rel .LBB2_1-.Ltmp0, $4  }
0x1c: {  	vm0 =	vmmov $0xffff;
	v17 =	vshrl.u32 v16, $0x3;
	s4 =	sor.u32 $0xF0, s30;
	s19 =	sadd.s32 $0x4000, s9;
	[dreg:$0x11] =	wrdreg s15  }
0x1d: {  	v17 =	vmul.u32 $0x8, v17;
	v15 =	vor.u32 s30, v16;
	v0 =	vor.u32 s6, v16;
	s20 =	sor.u32 $0x8, s30;
	s30 =	simm.s32 $0x13180;
	[dreg:$0x9] =	wrdreg s19  }
0x1e: {  	v1 =	vor.u32 s7, v16;
	v2 =	vor.u32 s8, v16;
	v13 =	vor.u32 s5, v16;
	s5 =	simm.s32 $0x13980;
	s15 =	sadd.s32 $0x600, s1;
	[dreg:$0x13] =	wrdreg s20  }
0x1f: {  	v3 =	vor.u32 s10, v16;
	v14 =	vor.u32 s4, v16;
	v16 =	vand.u32 $0x7, v16;
	s19 =	sadd.s32 $0x8000, s9;
	s20 =	simm.s32 $0x9;
	[dreg:$0x14] =	wrdreg s15  }
.LBB2_8:
0x20: {  	s0 =	sadd.s32 $0x1, s0  }
0x21: {  	p0 =	sne.s32 s0, s14  }
.Ltmp1:
0x22: {  	_ = 	snop;
	(pc) =	sbr.rel @!p0 .LBB2_9-.Ltmp1, $1  }
0x23: {  	_ =	sdelay $0x3  }
.LBB2_1:
0x24: {  	[dreg:$0x15] =	wrdreg s0  }
0x25: {  	[tilespmem:s2], [sflag:$0x9] =	stream.linear.gather [hbm4b:s21+s2], $0x80, $0x38;
	[tilespmem:$0x14180] =	vst v63  }
0x26: {  	_ =	swait.ge [sflag:s20], $0x80  }
0x27: {  	[sflag:s20] =	ssyncset.done $0x0  }
0x28: {  	[sflag:s20] =	ssyncadd.s32 $0xFFFFFF80  }
0x29: {  	v18 =	vld [tilespmem:$0x0];
	_ =	sdelay $0x4  }
0x2a: {  	(v2sf) =	vpush v18, $0x0;
	_ =	sdelay $0xe  }
0x2b: {  	s0 =	spop (v2sf)  }
0x2c: {  	s3 =	sand.u32 $0x7, s0  }
0x2d: {  	p0 =	sne.s32 s3, $0x0  }
.Ltmp2:
0x2e: {  	_ = 	snop;
	(pc) =	sbr.rel @!p0 .LBB2_2-.Ltmp2, $1  }
0x2f: {  	_ =	sdelay $0x3  }
0x30: {  	v19 =	vadd.s32 v18, v15;
	v20 =	vadd.s32 v18, v0  }
0x31: {  	v51 =	vadd.s32 v18, v1;
	v52 =	vadd.s32 v18, v2;
	v53 =	vadd.s32 v18, v3  }
0x32: {  	v54 =	vadd.s32 v18, v4;
	v55 =	vadd.s32 v18, v5;
	v56 =	vadd.s32 v18, v6  }
0x33: {  	v57 =	vadd.s32 v18, v7;
	v58 =	vadd.s32 v18, v8;
	v59 =	vadd.s32 v18, v9  }
0x34: {  	v60 =	vadd.s32 v18, v10;
	v61 =	vadd.s32 v18, v11;
	v62 =	vadd.s32 v18, v12  }
0x35: {  	v63 =	vadd.s32 v18, v13;
	v18 =	vadd.s32 v18, v14;
	v19 =	vand.u32 $0x1FFF, v19  }
0x36: {  	v18 =	vand.u32 $0x1FFF, v18;
	[tilespmem:$0x10080] =	vst v19  }
0x37: {  	v19 =	vand.u32 $0x1FFF, v20;
	[tilespmem:$0x10170] =	vst v18  }
0x38: {  	[tilespmem:$0x10090] =	vst v19;
	v19 =	vand.u32 $0x1FFF, v51  }
0x39: {  	[tilespmem:$0x100A0] =	vst v19;
	v19 =	vand.u32 $0x1FFF, v52  }
0x3a: {  	[tilespmem:$0x100B0] =	vst v19;
	v19 =	vand.u32 $0x1FFF, v53  }
0x3b: {  	[tilespmem:$0x100C0] =	vst v19;
	v19 =	vand.u32 $0x1FFF, v54  }
0x3c: {  	[tilespmem:$0x100D0] =	vst v19;
	v19 =	vand.u32 $0x1FFF, v55  }
0x3d: {  	[tilespmem:$0x100E0] =	vst v19;
	v19 =	vand.u32 $0x1FFF, v56  }
0x3e: {  	[tilespmem:$0x100F0] =	vst v19;
	v19 =	vand.u32 $0x1FFF, v57  }
0x3f: {  	[tilespmem:$0x10100] =	vst v19;
	v19 =	vand.u32 $0x1FFF, v58  }
0x40: {  	[tilespmem:$0x10110] =	vst v19;
	v19 =	vand.u32 $0x1FFF, v59  }
0x41: {  	[tilespmem:$0x10120] =	vst v19;
	v19 =	vand.u32 $0x1FFF, v60  }
0x42: {  	[tilespmem:$0x10130] =	vst v19;
	v19 =	vand.u32 $0x1FFF, v61  }
0x43: {  	[tilespmem:$0x10140] =	vst v19;
	v19 =	vand.u32 $0x1FFF, v62  }
0x44: {  	[tilespmem:$0x10150] =	vst v19;
	v19 =	vand.u32 $0x1FFF, v63  }
0x45: {  	s0 =	simm.s32 $0x0;
	[tilespmem:$0x10160] =	vst v19  }
0x46: {  	v18 =	vld.msk [tilespmem:s0+$0x10080], $0xff;
	_ =	sdelay $0x4  }
0x47: {  	v19 =	vshll.u32 v18, $0x4  }
0x48: {  	v18 =	vand.u32 $0x7, v18;
	v19 =	vand.u32 $0xFFFFFF80, v19  }
0x49: {  	v18 =	vor.u32 v18, v19  }
0x4a: {  	v18 =	vperm.xlane v18, v16;
	_ =	sdelay $0x1  }
0x4b: {  	v18 =	vadd.s32 v17, v18;
	_ =	sdelay $0x4  }
0x4c: {  	[tilespmem:s29], [sflag:$0x9] =	stream.indirect_vreg.gather [hbm4b:s1+s2], $0x80, v18, vm0, $0xb8;
	[tilespmem:$0x14180] =	vst v63  }
0x4d: {  	_ = 	snop  }
0x4e: {  	[tilespmem:s18], [sflag:$0x9] =	stream.indirect_vreg.gather [hbm4b:s11+s2], $0x80, v18, vm0, $0xb8;
	[tilespmem:$0x14180] =	vst v63  }
0x4f: {  	_ = 	snop  }
0x50: {  	[tilespmem:s24], [sflag:$0x9] =	stream.indirect_vreg.gather [hbm4b:s31+s2], $0x80, v18, vm0, $0xb8;
	[tilespmem:$0x14180] =	vst v63  }
0x51: {  	s7 =	rddreg [dreg:$0x10]  }
0x52: {  	[tilespmem:s25], [sflag:$0x9] =	stream.indirect_vreg.gather [hbm4b:s7+s2], $0x80, v18, vm0, $0xb8;
	[tilespmem:$0x14180] =	vst v63  }
0x53: {  	s8 =	rddreg [dreg:$0x11]  }
0x54: {  	[tilespmem:s26], [sflag:$0x9] =	stream.indirect_vreg.gather [hbm4b:s8+s2], $0x80, v18, vm0, $0xb8;
	[tilespmem:$0x14180] =	vst v63  }
0x55: {  	s10 =	rddreg [dreg:$0x12]  }
0x56: {  	[tilespmem:s28], [sflag:$0x9] =	stream.indirect_vreg.gather [hbm4b:s10+s2], $0x80, v18, vm0, $0xb8;
	[tilespmem:$0x14180] =	vst v63  }
0x57: {  	_ = 	snop  }
0x58: {  	[tilespmem:s30], [sflag:$0x9] =	stream.indirect_vreg.gather [hbm4b:s15+s2], $0x80, v18, vm0, $0xb8;
	[tilespmem:$0x14180] =	vst v63  }
0x59: {  	_ = 	snop  }
0x5a: {  	[tilespmem:s5], [sflag:$0x9] =	stream.indirect_vreg.gather [hbm4b:s16+s2], $0x80, v18, vm0, $0xb8;
	[tilespmem:$0x14180] =	vst v63  }
0x5b: {  	_ =	swait.ge [sflag:s20], $0x4000  }
0x5c: {  	[sflag:s20] =	ssyncset.done $0x0  }
0x5d: {  	[sflag:s20] =	ssyncadd.s32 $0xFFFFC000  }
0x5e: {  	[hbm4b:s13+s2] =	stream.linear.scatter [tilespmem:s29], [sflag:$0x9], $0x4000, $0x38;
	[tilespmem:$0x14180] =	vst v63  }
0x5f: {  	s3 =	simm.s32 $0x20;
	_ =	swait.ge [sflag:s20], $0x4000  }
0x60: {  	s4 =	simm.s32 $0x40;
	s0 =	sadd.s32 $0x800, s13;
	[sflag:s20] =	ssyncset.done $0x0  }
.LBB2_6:
0x61: {  	s5 =	sshra.s32 s3, $0x2  }
0x62: {  	[sflag:s20] =	ssyncadd.s32 $0xFFFFC000;
	s3 =	smov.u32 s4;
	s6 =	sadd.s32 $0x20, s4  }
0x63: {  	p0 =	sne.s32 s4, $0x3E0;
	v18 =	vld.msk [tilespmem:s5+$0x10080], $0xff;
	s5 =	simm.s32 $0x13980;
	_ =	sdelay $0x4  }
0x64: {  	v19 =	vshll.u32 v18, $0x4  }
0x65: {  	v18 =	vand.u32 $0x7, v18;
	v19 =	vand.u32 $0xFFFFFF80, v19  }
0x66: {  	v18 =	vor.u32 v18, v19  }
0x67: {  	v18 =	vperm.xlane v18, v16;
	_ =	sdelay $0x1  }
0x68: {  	v18 =	vadd.s32 v17, v18;
	_ =	sdelay $0x4  }
0x69: {  	[tilespmem:s29], [sflag:$0x9] =	stream.indirect_vreg.gather [hbm4b:s1+s2], $0x80, v18, vm0, $0xb8;
	[tilespmem:$0x14180] =	vst v63  }
0x6a: {  	_ = 	snop  }
0x6b: {  	[tilespmem:s18], [sflag:$0x9] =	stream.indirect_vreg.gather [hbm4b:s11+s2], $0x80, v18, vm0, $0xb8;
	[tilespmem:$0x14180] =	vst v63  }
0x6c: {  	_ = 	snop  }
0x6d: {  	[tilespmem:s24], [sflag:$0x9] =	stream.indirect_vreg.gather [hbm4b:s31+s2], $0x80, v18, vm0, $0xb8;
	[tilespmem:$0x14180] =	vst v63  }
0x6e: {  	_ = 	snop  }
0x6f: {  	[tilespmem:s25], [sflag:$0x9] =	stream.indirect_vreg.gather [hbm4b:s7+s2], $0x80, v18, vm0, $0xb8;
	[tilespmem:$0x14180] =	vst v63  }
0x70: {  	_ = 	snop  }
0x71: {  	[tilespmem:s26], [sflag:$0x9] =	stream.indirect_vreg.gather [hbm4b:s8+s2], $0x80, v18, vm0, $0xb8;
	[tilespmem:$0x14180] =	vst v63  }
0x72: {  	_ = 	snop  }
0x73: {  	[tilespmem:s28], [sflag:$0x9] =	stream.indirect_vreg.gather [hbm4b:s10+s2], $0x80, v18, vm0, $0xb8;
	[tilespmem:$0x14180] =	vst v63  }
0x74: {  	_ = 	snop  }
0x75: {  	[tilespmem:s30], [sflag:$0x9] =	stream.indirect_vreg.gather [hbm4b:s15+s2], $0x80, v18, vm0, $0xb8;
	[tilespmem:$0x14180] =	vst v63  }
0x76: {  	_ = 	snop  }
0x77: {  	[tilespmem:s5], [sflag:$0x9] =	stream.indirect_vreg.gather [hbm4b:s16+s2], $0x80, v18, vm0, $0xb8;
	[tilespmem:$0x14180] =	vst v63  }
0x78: {  	_ =	swait.ge [sflag:s20], $0x4000  }
.Ltmp3:
0x79: {  	[sflag:s20] =	ssyncset.done $0x0;
	(pc) =	sbr.rel @p0 .LBB2_6-.Ltmp3, $4  }
0x7a: {  	[sflag:s20] =	ssyncadd.s32 $0xFFFFC000  }
0x7b: {  	[hbm4b:s0+s2] =	stream.linear.scatter [tilespmem:s29], [sflag:$0x9], $0x4000, $0x38;
	[tilespmem:$0x14180] =	vst v63  }
0x7c: {  	_ =	swait.ge [sflag:s20], $0x4000  }
0x7d: {  	s4 =	smov.u32 s6;
	s0 =	sadd.s32 $0x800, s0;
	[sflag:s20] =	ssyncset.done $0x0  }
0x7e: {  	s3 =	sshra.s32 s3, $0x2;
	[sflag:s20] =	ssyncadd.s32 $0xFFFFC000  }
0x7f: {  	v18 =	vld.msk [tilespmem:s3+$0x10080], $0xff;
	_ =	sdelay $0x4  }
0x80: {  	v19 =	vshll.u32 v18, $0x4  }
0x81: {  	v18 =	vand.u32 $0x7, v18;
	v19 =	vand.u32 $0xFFFFFF80, v19  }
0x82: {  	v18 =	vor.u32 v18, v19  }
0x83: {  	v18 =	vperm.xlane v18, v16;
	_ =	sdelay $0x1  }
0x84: {  	v18 =	vadd.s32 v17, v18;
	_ =	sdelay $0x4  }
0x85: {  	[tilespmem:s29], [sflag:$0x9] =	stream.indirect_vreg.gather [hbm4b:s1+s2], $0x80, v18, vm0, $0xb8;
	[tilespmem:$0x14180] =	vst v63  }
0x86: {  	_ = 	snop  }
0x87: {  	[tilespmem:s18], [sflag:$0x9] =	stream.indirect_vreg.gather [hbm4b:s11+s2], $0x80, v18, vm0, $0xb8;
	[tilespmem:$0x14180] =	vst v63  }
0x88: {  	_ = 	snop  }
0x89: {  	[tilespmem:s24], [sflag:$0x9] =	stream.indirect_vreg.gather [hbm4b:s31+s2], $0x80, v18, vm0, $0xb8;
	[tilespmem:$0x14180] =	vst v63  }
0x8a: {  	_ = 	snop  }
0x8b: {  	[tilespmem:s25], [sflag:$0x9] =	stream.indirect_vreg.gather [hbm4b:s7+s2], $0x80, v18, vm0, $0xb8;
	[tilespmem:$0x14180] =	vst v63  }
0x8c: {  	_ = 	snop  }
0x8d: {  	[tilespmem:s26], [sflag:$0x9] =	stream.indirect_vreg.gather [hbm4b:s8+s2], $0x80, v18, vm0, $0xb8;
	[tilespmem:$0x14180] =	vst v63  }
0x8e: {  	_ = 	snop  }
0x8f: {  	[tilespmem:s28], [sflag:$0x9] =	stream.indirect_vreg.gather [hbm4b:s10+s2], $0x80, v18, vm0, $0xb8;
	[tilespmem:$0x14180] =	vst v63  }
0x90: {  	_ = 	snop  }
0x91: {  	[tilespmem:s30], [sflag:$0x9] =	stream.indirect_vreg.gather [hbm4b:s15+s2], $0x80, v18, vm0, $0xb8;
	[tilespmem:$0x14180] =	vst v63  }
0x92: {  	_ = 	snop  }
0x93: {  	[tilespmem:s5], [sflag:$0x9] =	stream.indirect_vreg.gather [hbm4b:s16+s2], $0x80, v18, vm0, $0xb8;
	[tilespmem:$0x14180] =	vst v63  }
0x94: {  	_ =	swait.ge [sflag:s20], $0x4000  }
0x95: {  	[sflag:s20] =	ssyncset.done $0x0  }
.Ltmp4:
0x96: {  	[sflag:s20] =	ssyncadd.s32 $0xFFFFC000;
	(pc) =	sbr.rel .LBB2_8-.Ltmp4, $4  }
0x97: {  	[hbm4b:s0+s2] =	stream.linear.scatter [tilespmem:s29], [sflag:$0x9], $0x4000, $0x38;
	[tilespmem:$0x14180] =	vst v63  }
0x98: {  	_ =	swait.ge [sflag:s20], $0x4000  }
0x99: {  	[sflag:s20] =	ssyncset.done $0x0  }
0x9a: {  	s0 =	rddreg [dreg:$0x15];
	[sflag:s20] =	ssyncadd.s32 $0xFFFFC000  }
.LBB2_2:
0x9b: {  	s3 =	rddreg [dreg:$0xb]  }
0x9c: {  	s3 =	sadd.s32 s3, s0  }
0x9d: {  	s3 =	sshll.u32 s3, $0x8  }
0x9e: {  	s7 =	sshll.u32 s12, $0x6;
	s3 =	sand.u32 $0x1FF800, s3  }
0x9f: {  	s26 =	sshrl.u32 s9, $0x3;
	s5 =	sor.u32 $0x1C01, s7;
	s3 =	sadd.s32 s1, s3  }
0xa0: {  	[spmem:s26], [sflag:s5] =	dma.local [hbm:s3], $0x800  }
0xa1: {  	s3 =	rddreg [dreg:$0x13]  }
0xa2: {  	s3 =	sadd.s32 s0, s3  }
0xa3: {  	s3 =	sshll.u32 s3, $0x8  }
0xa4: {  	s11 =	rddreg [dreg:$0x9];
	s3 =	sand.u32 $0x1FF800, s3  }
0xa5: {  	s28 =	sor.u32 $0x1C02, s7;
	s10 =	sshrl.u32 s11, $0x3;
	s3 =	sadd.s32 s1, s3  }
0xa6: {  	[spmem:s10], [sflag:s28] =	dma.local [hbm:s3], $0x800  }
0xa7: {  	s8 =	sshll.u32 s0, $0x8;
	p0 =	por $0x1, $0x1;
	s3 =	rddreg [dreg:$0xc]  }
0xa8: {  	p0 =	por p0, p0;
	s4 =	sadd.s32 s8, s3  }
0xa9: {  	s0 =	simm.s32 @!p0 $0x7;
	s3 =	sadd.s32 $0x0, s4  }
0xaa: {  	_ =	swait.ge @!p0 [sflag:s0], $0x800;
	s6 =	sadd.s32 $0x1000, s3  }
0xab: {  	s30 =	sshrl.u32 s19, $0x3;
	[sflag:s0] =	ssyncset.done @!p0 $0x0;
	s6 =	sand.u32 $0x1FF800, s6  }
0xac: {  	[sflag:s0] =	ssyncadd.s32 @!p0 $0xFFFFF800;
	s0 =	sor.u32 $0x1C03, s7;
	s6 =	sadd.s32 s1, s6  }
0xad: {  	[spmem:s30], [sflag:s0] =	dma.local [hbm:s6], $0x800  }
0xae: {  	_ =	swait.ge [sflag:s17], $0x800  }
0xaf: {  	s14 =	sadd.s32 $0x0, s13;
	[sflag:s17] =	ssyncset.done $0x0  }
0xb0: {  	s31 =	sor.u32 $0x1C05, s7;
	s8 =	simm.s32 @!p0 $0x8;
	[sflag:s17] =	ssyncadd.s32 $0xFFFFF800  }
0xb1: {  	[hbm:s14], [sflag:s31] =	dma.local [spmem:s26], $0x800  }
0xb2: {  	s18 =	sor.u32 $0x1C04, s7;
	s3 =	sadd.s32 $0x1800, s3;
	_ =	swait.ge @!p0 [sflag:s8], $0x800  }
0xb3: {  	s3 =	sand.u32 $0x1FF800, s3;
	s21 =	rddreg [dreg:$0x5];
	[sflag:s8] =	ssyncset.done @!p0 $0x0  }
0xb4: {  	s24 =	sadd.s32 s1, s3;
	[sflag:s8] =	ssyncadd.s32 @!p0 $0xFFFFF800;
	s3 =	sshrl.u32 s21, $0x3  }
0xb5: {  	[spmem:s3], [sflag:s18] =	dma.local [hbm:s24], $0x800  }
0xb6: {  	_ =	swait.ge [sflag:s23], $0x800  }
0xb7: {  	s6 =	sadd.s32 $0x800, s14;
	p0 =	por $0x0, $0x0;
	[sflag:s23] =	ssyncset.done $0x0  }
0xb8: {  	s8 =	sor.u32 $0x1C06, s7;
	s17 =	simm.s32 @p0 $0x3;
	[sflag:s23] =	ssyncadd.s32 $0xFFFFF800  }
0xb9: {  	[hbm:s6], [sflag:s8] =	dma.local [spmem:s10], $0x800  }
0xba: {  	s24 =	sshll.u32 @p0 s12, $0x6;
	_ =	swait.ge @p0 [sflag:s17], $0x800  }
0xbb: {  	s24 =	sor.u32 @p0 $0x1C07, s24;
	[sflag:s17] =	ssyncset.done @p0 $0x0  }
0xbc: {  	s6 =	rddreg [dreg:$0x6];
	[sflag:s17] =	ssyncadd.s32 @p0 $0xFFFFF800;
	s17 =	sshrl.u32 @p0 s19, $0x3  }
0xbd: {  	[hbm:s6], [sflag:s24] =	dma.local @p0 [spmem:s17], $0x800  }
0xbe: {  	s25 =	sadd.s32 @!p0 $0x0, s4;
	s17 =	simm.s32 @!p0 $0x5  }
0xbf: {  	s6 =	sadd.s32 @!p0 $0x2000, s25;
	_ =	swait.ge @!p0 [sflag:s17], $0x800  }
0xc0: {  	s24 =	simm.s32 @!p0 $0x3;
	s6 =	sand.u32 @!p0 $0x1FF800, s6;
	[sflag:s17] =	ssyncset.done @!p0 $0x0  }
0xc1: {  	s6 =	sadd.s32 @!p0 s1, s6;
	[sflag:s17] =	ssyncadd.s32 @!p0 $0xFFFFF800;
	s17 =	sshrl.u32 @!p0 s9, $0x3  }
0xc2: {  	[spmem:s17], [sflag:s5] =	dma.local @!p0 [hbm:s6], $0x800  }
0xc3: {  	s17 =	sshll.u32 @!p0 s12, $0x6;
	_ =	swait.ge @!p0 [sflag:s24], $0x800  }
0xc4: {  	s17 =	sor.u32 @!p0 $0x1C07, s17;
	s6 =	rddreg [dreg:$0x8];
	[sflag:s24] =	ssyncset.done @!p0 $0x0  }
0xc5: {  	[sflag:s24] =	ssyncadd.s32 @!p0 $0xFFFFF800;
	s6 =	sadd.s32 @!p0 $0x0, s6;
	s24 =	sshrl.u32 @!p0 s19, $0x3  }
0xc6: {  	[hbm:s6], [sflag:s17] =	dma.local @!p0 [spmem:s24], $0x800  }
0xc7: {  	s15 =	simm.s32 $0x1;
	p6 =	por $0x0, $0x0;
	s6 =	simm.s32 @!p0 $0x6  }
0xc8: {  	s14 =	smov.u32 s13;
	s17 =	sadd.s32 @!p0 $0x2800, s25;
	_ =	swait.ge @!p0 [sflag:s6], $0x800  }
0xc9: {  	s13 =	smov.u32 s9;
	s17 =	sand.u32 @!p0 $0x1FF800, s17;
	[sflag:s6] =	ssyncset.done @!p0 $0x0  }
0xca: {  	s17 =	sadd.s32 @!p0 s1, s17;
	[sflag:s6] =	ssyncadd.s32 @!p0 $0xFFFFF800;
	s6 =	sshrl.u32 @!p0 s11, $0x3  }
0xcb: {  	[spmem:s6], [sflag:s28] =	dma.local @!p0 [hbm:s17], $0x800  }
0xcc: {  	s24 =	simm.s32 $0x2000;
	s6 =	simm.s32 $0x4000;
	_ =	swait.ge [sflag:s22], $0x800  }
0xcd: {  	p0 =	por p6, p6;
	s25 =	rddreg [dreg:$0x7];
	[sflag:s22] =	ssyncset.done $0x0  }
0xce: {  	[sflag:s22] =	ssyncadd.s32 $0xFFFFF800;
	s17 =	sadd.s32 $0x0, s25;
	s25 =	sor.u32 $0x1C08, s7  }
.LBB2_3:
0xcf: {  	[hbm:s17], [sflag:s25] =	dma.local [spmem:s3], $0x800  }
0xd0: {  	s3 =	simm.s32 @!p0 $0x7;
	s9 =	sadd.s32 s24, s4  }
0xd1: {  	_ =	swait.ge @!p0 [sflag:s3], $0x800;
	s21 =	sadd.s32 $0x1000, s9  }
0xd2: {  	[sflag:s3] =	ssyncset.done @!p0 $0x0;
	s21 =	sand.u32 $0x1FF800, s21  }
0xd3: {  	[sflag:s3] =	ssyncadd.s32 @!p0 $0xFFFFF800;
	s11 =	sadd.s32 s1, s21  }
0xd4: {  	[spmem:s30], [sflag:s0] =	dma.local [hbm:s11], $0x800  }
0xd5: {  	_ =	swait.ge [sflag:s15], $0x800  }
0xd6: {  	s17 =	sadd.s32 $0x1800, s9;
	[sflag:s15] =	ssyncset.done $0x0  }
0xd7: {  	s9 =	sadd.s32 s24, s14;
	s21 =	simm.s32 @!p0 $0x8;
	[sflag:s15] =	ssyncadd.s32 $0xFFFFF800  }
0xd8: {  	[hbm:s9], [sflag:s31] =	dma.local [spmem:s26], $0x800  }
0xd9: {  	p2 =	seq.s32 s6, $0x0;
	_ =	swait.ge @!p0 [sflag:s21], $0x800  }
0xda: {  	s17 =	sand.u32 $0x1FF800, s17;
	[sflag:s21] =	ssyncset.done @!p0 $0x0;
	s22 =	rddreg [dreg:$0x5]  }
0xdb: {  	s11 =	sadd.s32 s1, s17;
	[sflag:s21] =	ssyncadd.s32 @!p0 $0xFFFFF800;
	s3 =	sshrl.u32 s22, $0x3  }
0xdc: {  	[spmem:s3], [sflag:s18] =	dma.local [hbm:s11], $0x800  }
0xdd: {  	p0 =	por p2, p2;
	p2 =	seq.s32 s24, $0xE000;
	_ =	swait.ge [sflag:s23], $0x800  }
0xde: {  	s17 =	sadd.s32 $0x800, s9;
	s21 =	simm.s32 @p2 $0x3;
	[sflag:s23] =	ssyncset.done $0x0  }
0xdf: {  	s22 =	sadd.s32 @!p2 s24, s4;
	s9 =	sshll.u32 @!p2 s12, $0x6;
	[sflag:s23] =	ssyncadd.s32 $0xFFFFF800  }
0xe0: {  	[hbm:s17], [sflag:s8] =	dma.local [spmem:s10], $0x800  }
0xe1: {  	s11 =	sshrl.u32 @p2 s19, $0x3;
	s17 =	sshll.u32 @p2 s12, $0x6;
	_ =	swait.ge @p2 [sflag:s21], $0x800  }
0xe2: {  	s12 =	simm.s32 @!p2 $0x5;
	s17 =	sor.u32 @p2 $0x1C07, s17;
	[sflag:s21] =	ssyncset.done @p2 $0x0  }
0xe3: {  	s23 =	rddreg [dreg:$0x6];
	[sflag:s21] =	ssyncadd.s32 @p2 $0xFFFFF800;
	s21 =	sadd.s32 @!p2 $0x2000, s22  }
0xe4: {  	[hbm:s23], [sflag:s17] =	dma.local @p2 [spmem:s11], $0x800  }
0xe5: {  	s21 =	sand.u32 @!p2 $0x1FF800, s21;
	_ =	swait.ge @!p2 [sflag:s12], $0x800  }
0xe6: {  	s17 =	sadd.s32 @!p2 $0x2800, s22;
	s11 =	sadd.s32 @!p2 s1, s21;
	[sflag:s12] =	ssyncset.done @!p2 $0x0  }
0xe7: {  	s21 =	simm.s32 @!p2 $0x3;
	[sflag:s12] =	ssyncadd.s32 @!p2 $0xFFFFF800;
	s12 =	sshrl.u32 @!p2 s13, $0x3  }
0xe8: {  	[spmem:s12], [sflag:s5] =	dma.local @!p2 [hbm:s11], $0x800  }
0xe9: {  	s9 =	sor.u32 @!p2 $0x1C07, s9;
	s11 =	sand.u32 @!p2 $0x1FF800, s17;
	_ =	swait.ge @!p2 [sflag:s21], $0x800  }
0xea: {  	s17 =	sshrl.u32 @!p2 s19, $0x3;
	[sflag:s21] =	ssyncset.done @!p2 $0x0;
	s12 =	rddreg [dreg:$0x8]  }
0xeb: {  	[sflag:s21] =	ssyncadd.s32 @!p2 $0xFFFFF800;
	s12 =	sadd.s32 @!p2 s24, s12;
	s21 =	simm.s32 @!p2 $0x6  }
0xec: {  	[hbm:s12], [sflag:s9] =	dma.local @!p2 [spmem:s17], $0x800  }
0xed: {  	s7 =	smov.u32 s6;
	s6 =	sadd.s32 $0x2000, s6;
	_ =	swait.ge @!p2 [sflag:s21], $0x800  }
0xee: {  	p1 =	sne.s32 s6, $0x10000;
	[sflag:s21] =	ssyncset.done @!p2 $0x0  }
0xef: {  	s22 =	simm.s32 $0x4;
	[sflag:s21] =	ssyncadd.s32 @!p2 $0xFFFFF800;
	s21 =	rddreg [dreg:$0x9]  }
.Ltmp5:
0xf0: {  	s11 =	sadd.s32 @!p2 s1, s11;
	s9 =	sshrl.u32 @!p2 s21, $0x3;
	(pc) =	sbr.rel @p1 .LBB2_3-.Ltmp5, $4  }
0xf1: {  	[spmem:s9], [sflag:s28] =	dma.local @!p2 [hbm:s11], $0x800  }
0xf2: {  	s23 =	simm.s32 $0x2;
	_ =	swait.ge [sflag:s22], $0x800  }
0xf3: {  	s12 =	stileid.u32;
	[sflag:s22] =	ssyncset.done $0x0;
	s17 =	rddreg [dreg:$0x7]  }
0xf4: {  	[sflag:s22] =	ssyncadd.s32 $0xFFFFF800;
	s17 =	sadd.s32 s24, s17;
	s24 =	smov.u32 s7  }
0xf5: {  	[hbm:s17], [sflag:s25] =	dma.local [spmem:s3], $0x800  }
0xf6: {  	s3 =	simm.s32 @!p0 $0x7;
	s6 =	sadd.s32 s24, s4  }
0xf7: {  	_ =	swait.ge @!p0 [sflag:s3], $0x800;
	s7 =	sadd.s32 $0x1000, s6  }
0xf8: {  	[sflag:s3] =	ssyncset.done @!p0 $0x0;
	s7 =	sand.u32 $0x1FF800, s7  }
0xf9: {  	[sflag:s3] =	ssyncadd.s32 @!p0 $0xFFFFF800;
	s7 =	sadd.s32 s1, s7  }
0xfa: {  	[spmem:s30], [sflag:s0] =	dma.local [hbm:s7], $0x800  }
0xfb: {  	_ =	swait.ge [sflag:s15], $0x800  }
0xfc: {  	[sflag:s15] =	ssyncset.done $0x0  }
0xfd: {  	s9 =	sadd.s32 s24, s14;
	s3 =	simm.s32 @!p0 $0x8;
	[sflag:s15] =	ssyncadd.s32 $0xFFFFF800  }
0xfe: {  	[hbm:s9], [sflag:s31] =	dma.local [spmem:s26], $0x800  }
0xff: {  	s6 =	sadd.s32 $0x1800, s6;
	_ =	swait.ge @!p0 [sflag:s3], $0x800  }
0x100: {  	s6 =	sand.u32 $0x1FF800, s6;
	s11 =	rddreg [dreg:$0x5];
	[sflag:s3] =	ssyncset.done @!p0 $0x0  }
0x101: {  	s15 =	sadd.s32 s1, s6;
	[sflag:s3] =	ssyncadd.s32 @!p0 $0xFFFFF800;
	s17 =	sshrl.u32 s11, $0x3  }
0x102: {  	[spmem:s17], [sflag:s18] =	dma.local [hbm:s15], $0x800  }
0x103: {  	_ =	swait.ge [sflag:s23], $0x800  }
0x104: {  	[sflag:s23] =	ssyncset.done $0x0  }
0x105: {  	s0 =	sadd.s32 $0x800, s9;
	p0 =	seq.s32 s24, $0xE000;
	[sflag:s23] =	ssyncadd.s32 $0xFFFFF800  }
0x106: {  	[hbm:s0], [sflag:s8] =	dma.local [spmem:s10], $0x800  }
0x107: {  	s0 =	simm.s32 @p0 $0x3  }
0x108: {  	s7 =	sshll.u32 @p0 s12, $0x6;
	_ =	swait.ge @p0 [sflag:s0], $0x800  }
0x109: {  	s7 =	sor.u32 @p0 $0x1C07, s7;
	[sflag:s0] =	ssyncset.done @p0 $0x0  }
0x10a: {  	s3 =	rddreg [dreg:$0x6];
	[sflag:s0] =	ssyncadd.s32 @p0 $0xFFFFF800;
	s0 =	sshrl.u32 @p0 s19, $0x3  }
0x10b: {  	[hbm:s3], [sflag:s7] =	dma.local @p0 [spmem:s0], $0x800  }
0x10c: {  	s0 =	sadd.s32 @!p0 s24, s4;
	s3 =	simm.s32 @!p0 $0x5  }
0x10d: {  	s4 =	sadd.s32 @!p0 $0x2000, s0;
	_ =	swait.ge @!p0 [sflag:s3], $0x800  }
0x10e: {  	s4 =	sand.u32 @!p0 $0x1FF800, s4;
	[sflag:s3] =	ssyncset.done @!p0 $0x0  }
0x10f: {  	s4 =	sadd.s32 @!p0 s1, s4;
	[sflag:s3] =	ssyncadd.s32 @!p0 $0xFFFFF800;
	s3 =	sshrl.u32 @!p0 s13, $0x3  }
0x110: {  	[spmem:s3], [sflag:s5] =	dma.local @!p0 [hbm:s4], $0x800  }
0x111: {  	s3 =	simm.s32 @!p0 $0x3  }
0x112: {  	s5 =	sshll.u32 @!p0 s12, $0x6;
	_ =	swait.ge @!p0 [sflag:s3], $0x800  }
0x113: {  	s5 =	sor.u32 @!p0 $0x1C07, s5;
	s4 =	rddreg [dreg:$0x8];
	[sflag:s3] =	ssyncset.done @!p0 $0x0  }
0x114: {  	[sflag:s3] =	ssyncadd.s32 @!p0 $0xFFFFF800;
	s3 =	sadd.s32 @!p0 s24, s4;
	s4 =	sshrl.u32 @!p0 s19, $0x3  }
0x115: {  	[hbm:s3], [sflag:s5] =	dma.local @!p0 [spmem:s4], $0x800  }
0x116: {  	s3 =	simm.s32 @!p0 $0x6  }
0x117: {  	s0 =	sadd.s32 @!p0 $0x2800, s0;
	_ =	swait.ge @!p0 [sflag:s3], $0x800  }
0x118: {  	s0 =	sand.u32 @!p0 $0x1FF800, s0;
	[sflag:s3] =	ssyncset.done @!p0 $0x0  }
0x119: {  	s0 =	sadd.s32 @!p0 s1, s0;
	[sflag:s3] =	ssyncadd.s32 @!p0 $0xFFFFF800;
	s3 =	sshrl.u32 @!p0 s21, $0x3  }
0x11a: {  	[spmem:s3], [sflag:s28] =	dma.local @!p0 [hbm:s0], $0x800  }
0x11b: {  	_ =	swait.ge [sflag:s22], $0x800  }
0x11c: {  	s18 =	rddreg [dreg:$0x7];
	[sflag:s22] =	ssyncset.done $0x0  }
0x11d: {  	s21 =	simm.s32 $0x5;
	s0 =	sadd.s32 s24, s18;
	[sflag:s22] =	ssyncadd.s32 $0xFFFFF800  }
0x11e: {  	[hbm:s0], [sflag:s25] =	dma.local [spmem:s17], $0x800  }
0x11f: {  	_ =	swait.ge [sflag:s21], $0x800  }
0x120: {  	[sflag:s21] =	ssyncset.done $0x0  }
0x121: {  	s24 =	simm.s32 $0x6;
	[sflag:s21] =	ssyncadd.s32 $0xFFFFF800  }
0x122: {  	_ =	swait.ge [sflag:s24], $0x800  }
0x123: {  	[sflag:s24] =	ssyncset.done $0x0  }
0x124: {  	s25 =	simm.s32 $0x7;
	[sflag:s24] =	ssyncadd.s32 $0xFFFFF800  }
0x125: {  	_ =	swait.ge [sflag:s25], $0x800  }
0x126: {  	[sflag:s25] =	ssyncset.done $0x0  }
0x127: {  	s26 =	simm.s32 $0x8;
	[sflag:s25] =	ssyncadd.s32 $0xFFFFF800  }
0x128: {  	s30 =	simm.s32 $0x13180;
	_ =	swait.ge [sflag:s26], $0x800  }
0x129: {  	s9 =	smov.u32 s13;
	s13 =	smov.u32 s14;
	s21 =	rddreg [dreg:$0xa]  }
.Ltmp6:
0x12a: {  	s5 =	simm.s32 $0x13980;
	s11 =	rddreg [dreg:$0xd];
	(pc) =	sbr.rel .LBB2_8-.Ltmp6, $4  }
0x12b: {  	s28 =	simm.s32 $0x12980;
	s18 =	simm.s32 $0x10980;
	s14 =	rddreg [dreg:$0xe]  }
0x12c: {  	s17 =	simm.s32 $0x1;
	s24 =	simm.s32 $0x11180;
	s31 =	rddreg [dreg:$0xf]  }
0x12d: {  	s25 =	simm.s32 $0x11980;
	[sflag:s26] =	ssyncset.done $0x0;
	s15 =	rddreg [dreg:$0x14]  }
0x12e: {  	s0 =	rddreg [dreg:$0x15];
	[sflag:s26] =	ssyncadd.s32 $0xFFFFF800;
	s26 =	simm.s32 $0x12180  }
.LBB2_9:
0x12f: {  	_ =	sfence.sel $0x180000  }
0x130: {  	[bflag:$0x0] =	sbarrier.arrive $0xFFFF  }
0x131: {  	_ =	strace $0x90000047  }
0x132: {  	[bflag:$0x2] =	sbarrier.arrive $0xFFFF  }
0x133: {  	p0 =	sne.s32 s12, $0x0;
	s0 =	rddreg [dreg:$0x4]  }
0x134: {  	s0 =	sadd.s32 @!p0 $0x100000, s0  }
0x135: {  	[sflag:s0] =	ssyncadd.tile.s32 @!p0 $0x1;
	_ =	shalt  }
.Lfunc_end2:
_tile_overlayer_lowered:
.L_overlay_start_2:
0x136: {  	(tag) =	ssettag $0x2  }
0x137: {  	s0 =	rddreg [dreg:$0x0];
	s2 =	stileid.u32  }
0x138: {  	s1 =	rddreg [dreg:$0x1];
	p0 =	sne.s32 s2, $0x0  }
0x139: {  	s3 =	rddreg [dreg:$0x2];
	[bflag:$0x3] =	sbarrier.arrive $0xFFFF;
	s2 =	simm.s32 @!p0 $0x1C09  }
0x13a: {  	[timem:s3], [sflag:s2] =	dma.local @!p0 [hbm:s0], s1  }
0x13b: {  	s0 =	simm.s32 @!p0 $0x9  }
0x13c: {  	_ =	swait.ge @!p0 [sflag:s0], s1  }
0x13d: {  	s1 =	ssub.s32 @!p0 $0x0, s1;
	[sflag:s0] =	ssyncset.done @!p0 $0x0  }
0x13e: {  	[sflag:s0] =	ssyncadd.s32 @!p0 s1  }
0x13f: {  	[bflag:$0x3] =	sbarrier.arrive $0xFFFF  }
0x140: {  	_ =	shalt  }

</sc_bundles>
